<compile_context>
chip_gen: v7x
topology: tpu7x:2x2x1
jax: 0.10.2.dev20260603
libtpu: 0.0.44.dev20260713+nightly
codegen_flags: <defaults>
</compile_context>

<pallas_src>
import functools

import jax
import jax.numpy as jnp
from jax import lax
from jax.experimental import pallas as pl
from jax.experimental.pallas import tpu as pltpu
from jax.experimental.pallas import tpu_sc as plsc

N = 10000
NP = 10240
D_IN = 128
H = 16
C = 40
E = 320000

NC = 2
NS = 16
NW = NC * NS
STRIPE = NP // NS
CHUNK = 128
CPT = 80
NBUF = 4
E_PAD = NW * CPT * CHUNK

ROWS_BLK = 1024
GRID = NP // ROWS_BLK



_MESH = plsc.VectorSubcoreMesh(core_axis_name="c", subcore_axis_name="s")


def _deg_body(dst_hbm, zeros1_hbm, ones_hbm, out_hbm, idx_d, ones_v, acc1):
    c = lax.axis_index("c")
    s = lax.axis_index("s")
    pltpu.sync_copy(zeros1_hbm.at[pl.ds(s * STRIPE, STRIPE)],
                    acc1.at[pl.ds(s * STRIPE, STRIPE)])
    w = c * NS + s
    pltpu.sync_copy(dst_hbm.at[w], idx_d)
    pltpu.sync_copy(ones_hbm, ones_v)
    plsc.subcore_barrier()

    def body(j, carry):
        pltpu.sync_copy(ones_v, acc1.at[idx_d.at[j]], add=True)
        return carry

    lax.fori_loop(0, CPT, body, 0)
    plsc.subcore_barrier()
    pltpu.sync_copy(acc1.at[pl.ds(s * STRIPE, STRIPE)],
                    out_hbm.at[c, pl.ds(s * STRIPE, STRIPE)])


_SC_PARAMS = pltpu.CompilerParams(use_tc_tiling_on_sc=False)

_deg_call = functools.partial(
    pl.kernel,
    mesh=_MESH,
    compiler_params=_SC_PARAMS,
    out_type=jax.ShapeDtypeStruct((NC, NP), jnp.float32),
    scratch_types=[
        pltpu.VMEM((CPT, CHUNK), jnp.int32),
        pltpu.VMEM((CHUNK,), jnp.float32),
        pltpu.VMEM_SHARED((NP,), jnp.float32),
    ],
)(_deg_body)


def _edge_body(y_hbm, src_hbm, dst_hbm, zeros_hbm, out_hbm,
               idx_s, idx_d, rows, acc, sem):
    c = lax.axis_index("c")
    s = lax.axis_index("s")
    pltpu.sync_copy(zeros_hbm.at[pl.ds(s * STRIPE, STRIPE)],
                    acc.at[pl.ds(s * STRIPE, STRIPE)])
    w = c * NS + s
    pltpu.sync_copy(src_hbm.at[w], idx_s)
    pltpu.sync_copy(dst_hbm.at[w], idx_d)
    plsc.subcore_barrier()

    def body(g, carry):
        base = g * NBUF
        cps = [pltpu.async_copy(y_hbm.at[idx_s.at[base + b]], rows.at[b], sem)
               for b in range(NBUF)]
        for cp in cps:
            cp.wait()
        for b in range(NBUF):
            pltpu.sync_copy(rows.at[b], acc.at[idx_d.at[base + b]], add=True)
        return carry

    lax.fori_loop(0, CPT // NBUF, body, 0)
    plsc.subcore_barrier()
    pltpu.sync_copy(acc.at[pl.ds(s * STRIPE, STRIPE)],
                    out_hbm.at[c, pl.ds(s * STRIPE, STRIPE)])


_edge_call = functools.partial(
    pl.kernel,
    mesh=_MESH,
    compiler_params=_SC_PARAMS,
    out_type=jax.ShapeDtypeStruct((NC, NP, H), jnp.float32),
    scratch_types=[
        pltpu.VMEM((CPT, CHUNK), jnp.int32),
        pltpu.VMEM((CPT, CHUNK), jnp.int32),
        pltpu.VMEM((NBUF, CHUNK, H), jnp.float32),
        pltpu.VMEM_SHARED((NP, H), jnp.float32),
        pltpu.SemaphoreType.DMA,
    ],
)(_edge_body)



def _tc1_body(x_ref, w1_ref, degt_ref, y1_ref, dis_ref):
    xw = jnp.dot(x_ref[...], w1_ref[...], preferred_element_type=jnp.float32)
    deg = jnp.sum(degt_ref[...], axis=1, keepdims=True) + 1.0
    dis = lax.rsqrt(deg)
    y1_ref[...] = xw * dis
    dis_ref[...] = dis


_tc1 = pl.pallas_call(
    _tc1_body,
    grid=(GRID,),
    in_specs=[
        pl.BlockSpec((ROWS_BLK, D_IN), lambda i: (i, 0)),
        pl.BlockSpec((D_IN, H), lambda i: (0, 0)),
        pl.BlockSpec((ROWS_BLK, NC), lambda i: (i, 0)),
    ],
    out_specs=[
        pl.BlockSpec((ROWS_BLK, H), lambda i: (i, 0)),
        pl.BlockSpec((ROWS_BLK, 1), lambda i: (i, 0)),
    ],
    out_shape=[
        jax.ShapeDtypeStruct((NP, H), jnp.float32),
        jax.ShapeDtypeStruct((NP, 1), jnp.float32),
    ],
)


def _tc2_body(aggp_ref, y1_ref, dis_ref, b1_ref, u_ref):
    agg = aggp_ref[0] + aggp_ref[1] + y1_ref[...]
    h = jnp.maximum(agg * dis_ref[...] + b1_ref[...], 0.0)
    u_ref[...] = h * dis_ref[...]


_tc2 = pl.pallas_call(
    _tc2_body,
    grid=(GRID,),
    in_specs=[
        pl.BlockSpec((NC, ROWS_BLK, H), lambda i: (0, i, 0)),
        pl.BlockSpec((ROWS_BLK, H), lambda i: (i, 0)),
        pl.BlockSpec((ROWS_BLK, 1), lambda i: (i, 0)),
        pl.BlockSpec((1, H), lambda i: (0, 0)),
    ],
    out_specs=pl.BlockSpec((ROWS_BLK, H), lambda i: (i, 0)),
    out_shape=jax.ShapeDtypeStruct((NP, H), jnp.float32),
)


def _tc3_body(aggp_ref, u_ref, dis_ref, w2_ref, b2_ref, out_ref):
    g = (aggp_ref[0] + aggp_ref[1] + u_ref[...]) * dis_ref[...]
    z = jnp.dot(g, w2_ref[...], preferred_element_type=jnp.float32) + b2_ref[...]
    m = jnp.max(z, axis=1, keepdims=True)
    lse = jnp.log(jnp.sum(jnp.exp(z - m), axis=1, keepdims=True))
    out_ref[...] = z - m - lse


_tc3 = pl.pallas_call(
    _tc3_body,
    grid=(GRID,),
    in_specs=[
        pl.BlockSpec((NC, ROWS_BLK, H), lambda i: (0, i, 0)),
        pl.BlockSpec((ROWS_BLK, H), lambda i: (i, 0)),
        pl.BlockSpec((ROWS_BLK, 1), lambda i: (i, 0)),
        pl.BlockSpec((H, C), lambda i: (0, 0)),
        pl.BlockSpec((1, C), lambda i: (0, 0)),
    ],
    out_specs=pl.BlockSpec((ROWS_BLK, C), lambda i: (i, 0)),
    out_shape=jax.ShapeDtypeStruct((NP, C), jnp.float32),
)



def kernel(x, edge_index, W1, b1, W2, b2):
    src = edge_index[0].astype(jnp.int32)
    dst = edge_index[1].astype(jnp.int32)
    pad = E_PAD - E
    fill = jnp.full((pad,), N, jnp.int32)
    srcp = jnp.concatenate([src, fill]).reshape(NW, CPT, CHUNK)
    dstp = jnp.concatenate([dst, fill]).reshape(NW, CPT, CHUNK)

    x_pad = jnp.pad(x, ((0, NP - N), (0, 0)))
    zeros1 = jnp.zeros((NP,), jnp.float32)
    zeros2 = jnp.zeros((NP, H), jnp.float32)
    ones = jnp.ones((CHUNK,), jnp.float32)

    degp = _deg_call(dstp, zeros1, ones)
    degt = degp.T
    y1, dis = _tc1(x_pad, W1, degt)
    agg1 = _edge_call(y1, srcp, dstp, zeros2)
    u = _tc2(agg1, y1, dis, b1.reshape(1, H))
    agg2 = _edge_call(u, srcp, dstp, zeros2)
    outp = _tc3(agg2, u, dis, W2, b2.reshape(1, C))
    return outp[:N]

# --- scband reference (transcript-rebuilt; emitter-appended) ---
"""Pipeline reference for scband-gcn-29386166239463 (READ-ONLY COPY).

The authoritative reference and input builder live on the scoring server;
editing this copy changes nothing except your own understanding.
"""

import jax, jax.numpy as jnp
import numpy as np

N = 10000
NUM_DIM = 128
HIDDEN = 16
NUM_CLASS = 40
E = 320000


def setup_inputs(seed: int = 0) -> dict:
    key = jax.random.key(seed)
    k1, k2, k3, k4, k5, k6 = jax.random.split(key, 6)
    x = jax.random.normal(k1, (N, NUM_DIM), dtype=jnp.float32)
    edge_index = jax.random.randint(k2, (2, E), 0, N, dtype=jnp.int32)
    W1 = jax.random.normal(k3, (NUM_DIM, HIDDEN), dtype=jnp.float32) * (1.0 / np.sqrt(NUM_DIM))
    b1 = jnp.zeros((HIDDEN,), dtype=jnp.float32)
    W2 = jax.random.normal(k4, (HIDDEN, NUM_CLASS), dtype=jnp.float32) * (1.0 / np.sqrt(HIDDEN))
    b2 = jnp.zeros((NUM_CLASS,), dtype=jnp.float32)
    return {"x": x, "edge_index": edge_index, "W1": W1, "b1": b1, "W2": W2, "b2": b2}


def _gcn_conv(x, edge_index, W, b):
    # PyG GCNConv: add self-loops, symmetric deg normalization, linear, scatter-add
    src = edge_index[0]
    dst = edge_index[1]
    loop = jnp.arange(N, dtype=edge_index.dtype)
    src = jnp.concatenate([src, loop])
    dst = jnp.concatenate([dst, loop])
    deg = jnp.zeros((N,), dtype=x.dtype).at[dst].add(1.0)
    dis = jnp.where(deg > 0, jax.lax.rsqrt(jnp.maximum(deg, 1e-12)), 0.0)
    norm = dis[src] * dis[dst]
    xw = x @ W
    msg = jnp.take(xw, src, axis=0) * norm[:, None]
    out = jnp.zeros((N, W.shape[1]), dtype=x.dtype).at[dst].add(msg)
    return out + b


def reference(x, edge_index, W1, b1, W2, b2):
    h = jax.nn.relu(_gcn_conv(x, edge_index, W1, b1))
    # dropout is identity in eval mode
    h = _gcn_conv(h, edge_index, W2, b2)
    return jax.nn.log_softmax(h, axis=1)

if __name__ == "__main__":
    import jax
    _d = setup_inputs()
    print(jax.jit(kernel)(*tuple(_d.values())))

</pallas_src>

<mosaic_0001>
#map = affine_map<(d0, d1) -> (0, 0, 0)>
#map1 = affine_map<(d0, d1) -> (0)>
#map2 = affine_map<(d0, d1) -> (0, 0)>
module attributes {stable_mosaic.version = 14 : i64} {
  func.func @_deg_body(%arg0: i32, %arg1: i32, %arg2: memref<32x80x128xi32, #tpu.memory_space<hbm>>, %arg3: memref<10240xf32, #tpu.memory_space<hbm>>, %arg4: memref<128xf32, #tpu.memory_space<hbm>>, %arg5: memref<2x10240xf32, #tpu.memory_space<hbm>>, %arg6: memref<80x128xi32, #tpu.memory_space<vmem>>, %arg7: memref<128xf32, #tpu.memory_space<vmem>>, %arg8: memref<10240xf32, #tpu.memory_space<vmem_shared>>) attributes {dimension_semantics = [#tpu.dimension_semantics<core_parallel>, #tpu.dimension_semantics<subcore_parallel>], iteration_bounds = array<i64: 2, 16>, scalar_prefetch = 0 : i64, scratch_operands = 3 : i64, tpu.core_type = #tpu.core_type<sc_vector_subcore>, window_params = [{transform_indices = #map}, {transform_indices = #map1}, {transform_indices = #map1}, {transform_indices = #map2}]} {
    %mul3A = arith.constant 640 : i32
    %mul3A_0 = arith.muli %arg1, %mul3A : i32
    %mul3A_1 = arith.constant 640 : i32
    %mul3A_2 = arith.muli %arg1, %mul3A_1 : i32
    "tpu.region"() ({
      %run_scoped3A = tpu.sem_alloc : memref<!tpu.dma_semaphore, #tpu.memory_space<semaphore_mem>>
      %dma_start3A = tpu.memref_slice %arg8[%mul3A_2] : memref<10240xf32, #tpu.memory_space<vmem_shared>> -> memref<640xf32, #tpu.memory_space<vmem_shared>>
      %dma_start3A_15 = tpu.memref_slice %arg3[%mul3A_0] : memref<10240xf32, #tpu.memory_space<hbm>> -> memref<640xf32, #tpu.memory_space<hbm>>
      tpu.enqueue_dma source(%dma_start3A_15 : memref<640xf32, #tpu.memory_space<hbm>>) target(%dma_start3A : memref<640xf32, #tpu.memory_space<vmem_shared>>) target_semaphore(%run_scoped3A : memref<!tpu.dma_semaphore, #tpu.memory_space<semaphore_mem>>)
      %dma_wait3A = tpu.memref_slice %arg8[%mul3A_2] : memref<10240xf32, #tpu.memory_space<vmem_shared>> -> memref<640xf32, #tpu.memory_space<vmem_shared>>
      %dma_wait3A_16 = tpu.memref_slice %arg3[%mul3A_0] : memref<10240xf32, #tpu.memory_space<hbm>> -> memref<640xf32, #tpu.memory_space<hbm>>
      tpu.wait_dma2 semaphore(%run_scoped3A : memref<!tpu.dma_semaphore, #tpu.memory_space<semaphore_mem>>) src(%dma_wait3A_16 : memref<640xf32, #tpu.memory_space<hbm>>) dst(%dma_wait3A : memref<640xf32, #tpu.memory_space<vmem_shared>>)
      tpu.yield
    }) : () -> ()
    %mul3A_3 = arith.constant 16 : i32
    %mul3A_4 = arith.muli %arg0, %mul3A_3 : i32
    %add3A = arith.addi %mul3A_4, %arg1 : i32
    "tpu.region"() ({
      %run_scoped3A = tpu.sem_alloc : memref<!tpu.dma_semaphore, #tpu.memory_space<semaphore_mem>>
      %dma_start3A = arith.constant 0 : i32
      %dma_start3A_15 = arith.constant 0 : i32
      %dma_start3A_16 = tpu.memref_slice %arg2[%add3A, %dma_start3A, %dma_start3A_15] : memref<32x80x128xi32, #tpu.memory_space<hbm>> -> memref<1x80x128xi32, #tpu.memory_space<hbm>>
      %dma_start3A_17 = tpu.memref_squeeze %dma_start3A_16 : memref<1x80x128xi32, #tpu.memory_space<hbm>> -> memref<80x128xi32, #tpu.memory_space<hbm>>
      %dma_start3A_18 = arith.constant 0 : i32
      %dma_start3A_19 = arith.constant 0 : i32
      %dma_start3A_20 = tpu.memref_slice %arg2[%add3A, %dma_start3A_18, %dma_start3A_19] : memref<32x80x128xi32, #tpu.memory_space<hbm>> -> memref<1x80x128xi32, #tpu.memory_space<hbm>>
      %dma_start3A_21 = tpu.memref_squeeze %dma_start3A_20 : memref<1x80x128xi32, #tpu.memory_space<hbm>> -> memref<80x128xi32, #tpu.memory_space<hbm>>
      tpu.enqueue_dma source(%dma_start3A_21 : memref<80x128xi32, #tpu.memory_space<hbm>>) target(%arg6 : memref<80x128xi32, #tpu.memory_space<vmem>>) target_semaphore(%run_scoped3A : memref<!tpu.dma_semaphore, #tpu.memory_space<semaphore_mem>>)
      %dma_wait3A = arith.constant 0 : i32
      %dma_wait3A_22 = arith.constant 0 : i32
      %dma_wait3A_23 = tpu.memref_slice %arg2[%add3A, %dma_wait3A, %dma_wait3A_22] : memref<32x80x128xi32, #tpu.memory_space<hbm>> -> memref<1x80x128xi32, #tpu.memory_space<hbm>>
      %dma_wait3A_24 = tpu.memref_squeeze %dma_wait3A_23 : memref<1x80x128xi32, #tpu.memory_space<hbm>> -> memref<80x128xi32, #tpu.memory_space<hbm>>
      %dma_wait3A_25 = arith.constant 0 : i32
      %dma_wait3A_26 = arith.constant 0 : i32
      %dma_wait3A_27 = tpu.memref_slice %arg2[%add3A, %dma_wait3A_25, %dma_wait3A_26] : memref<32x80x128xi32, #tpu.memory_space<hbm>> -> memref<1x80x128xi32, #tpu.memory_space<hbm>>
      %dma_wait3A_28 = tpu.memref_squeeze %dma_wait3A_27 : memref<1x80x128xi32, #tpu.memory_space<hbm>> -> memref<80x128xi32, #tpu.memory_space<hbm>>
      tpu.wait_dma2 semaphore(%run_scoped3A : memref<!tpu.dma_semaphore, #tpu.memory_space<semaphore_mem>>) src(%dma_wait3A_28 : memref<80x128xi32, #tpu.memory_space<hbm>>) dst(%arg6 : memref<80x128xi32, #tpu.memory_space<vmem>>)
      tpu.yield
    }) : () -> ()
    "tpu.region"() ({
      %run_scoped3A = tpu.sem_alloc : memref<!tpu.dma_semaphore, #tpu.memory_space<semaphore_mem>>
      tpu.enqueue_dma source(%arg4 : memref<128xf32, #tpu.memory_space<hbm>>) target(%arg7 : memref<128xf32, #tpu.memory_space<vmem>>) target_semaphore(%run_scoped3A : memref<!tpu.dma_semaphore, #tpu.memory_space<semaphore_mem>>)
      tpu.wait_dma2 semaphore(%run_scoped3A : memref<!tpu.dma_semaphore, #tpu.memory_space<semaphore_mem>>) src(%arg4 : memref<128xf32, #tpu.memory_space<hbm>>) dst(%arg7 : memref<128xf32, #tpu.memory_space<vmem>>)
      tpu.yield
    }) : () -> ()
    %barrier3A = arith.constant 0 : index
    tpu.barrier barrier_id(%barrier3A)
    %scan3A = arith.constant 0 : i32
    %scan3A_5 = arith.constant 0 : i32
    %scan3A_6 = arith.constant 80 : i32
    %scan3A_7 = arith.addi %scan3A_5, %scan3A_6 : i32
    %scan3A_8 = arith.constant 1 : i32
    scf.for %scan3A_15 = %scan3A_5 to %scan3A_7 step %scan3A_8  : i32 {
      "tpu.region"() ({
        %run_scoped3A = tpu.sem_alloc : memref<!tpu.dma_semaphore, #tpu.memory_space<semaphore_mem>>
        %dma_start3A = arith.constant 0 : i32
        %dma_start3A_16 = tpu.memref_slice %arg6[%scan3A_15, %dma_start3A] : memref<80x128xi32, #tpu.memory_space<vmem>> -> memref<1x128xi32, #tpu.memory_space<vmem>>
        %dma_start3A_17 = tpu.memref_squeeze %dma_start3A_16 : memref<1x128xi32, #tpu.memory_space<vmem>> -> memref<128xi32, #tpu.memory_space<vmem>>
        %dma_start3A_18 = arith.constant 0 : i32
        %dma_start3A_19 = tpu.memref_slice %arg8[%dma_start3A_18] : memref<10240xf32, #tpu.memory_space<vmem_shared>> -> memref<10240xf32, #tpu.memory_space<vmem_shared>>
        tpu.enqueue_indirect_dma source(%arg7 : memref<128xf32, #tpu.memory_space<vmem>>) target(%dma_start3A_19 : memref<10240xf32, #tpu.memory_space<vmem_shared>>) offsets(%dma_start3A_17 : memref<128xi32, #tpu.memory_space<vmem>>) semaphore(%run_scoped3A : memref<!tpu.dma_semaphore, #tpu.memory_space<semaphore_mem>>) {add = true}
        %dma_wait3A = arith.constant 0 : i32
        %dma_wait3A_20 = tpu.memref_slice %arg6[%scan3A_15, %dma_wait3A] : memref<80x128xi32, #tpu.memory_space<vmem>> -> memref<1x128xi32, #tpu.memory_space<vmem>>
        %dma_wait3A_21 = tpu.memref_squeeze %dma_wait3A_20 : memref<1x128xi32, #tpu.memory_space<vmem>> -> memref<128xi32, #tpu.memory_space<vmem>>
        %dma_wait3A_22 = arith.constant 0 : i32
        %dma_wait3A_23 = tpu.memref_slice %arg8[%dma_wait3A_22] : memref<10240xf32, #tpu.memory_space<vmem_shared>> -> memref<10240xf32, #tpu.memory_space<vmem_shared>>
        tpu.wait_indirect_dma semaphore(%run_scoped3A : memref<!tpu.dma_semaphore, #tpu.memory_space<semaphore_mem>>) src(%arg7 : memref<128xf32, #tpu.memory_space<vmem>>) dst(%dma_wait3A_23 : memref<10240xf32, #tpu.memory_space<vmem_shared>>)
        tpu.yield
      }) : () -> ()
    }
    %scan3A_9 = arith.constant 80 : i32
    %barrier3A_10 = arith.constant 0 : index
    tpu.barrier barrier_id(%barrier3A_10)
    %mul3A_11 = arith.constant 640 : i32
    %mul3A_12 = arith.muli %arg1, %mul3A_11 : i32
    %mul3A_13 = arith.constant 640 : i32
    %mul3A_14 = arith.muli %arg1, %mul3A_13 : i32
    "tpu.region"() ({
      %run_scoped3A = tpu.sem_alloc : memref<!tpu.dma_semaphore, #tpu.memory_space<semaphore_mem>>
      %dma_start3A = tpu.memref_slice %arg5[%arg0, %mul3A_14] : memref<2x10240xf32, #tpu.memory_space<hbm>> -> memref<1x640xf32, #tpu.memory_space<hbm>>
      %dma_start3A_15 = tpu.memref_squeeze %dma_start3A : memref<1x640xf32, #tpu.memory_space<hbm>> -> memref<640xf32, #tpu.memory_space<hbm>>
      %dma_start3A_16 = tpu.memref_slice %arg8[%mul3A_12] : memref<10240xf32, #tpu.memory_space<vmem_shared>> -> memref<640xf32, #tpu.memory_space<vmem_shared>>
      tpu.enqueue_dma source(%dma_start3A_16 : memref<640xf32, #tpu.memory_space<vmem_shared>>) target(%dma_start3A_15 : memref<640xf32, #tpu.memory_space<hbm>>) target_semaphore(%run_scoped3A : memref<!tpu.dma_semaphore, #tpu.memory_space<semaphore_mem>>)
      %dma_wait3A = tpu.memref_slice %arg5[%arg0, %mul3A_14] : memref<2x10240xf32, #tpu.memory_space<hbm>> -> memref<1x640xf32, #tpu.memory_space<hbm>>
      %dma_wait3A_17 = tpu.memref_squeeze %dma_wait3A : memref<1x640xf32, #tpu.memory_space<hbm>> -> memref<640xf32, #tpu.memory_space<hbm>>
      %dma_wait3A_18 = tpu.memref_slice %arg8[%mul3A_12] : memref<10240xf32, #tpu.memory_space<vmem_shared>> -> memref<640xf32, #tpu.memory_space<vmem_shared>>
      tpu.wait_dma2 semaphore(%run_scoped3A : memref<!tpu.dma_semaphore, #tpu.memory_space<semaphore_mem>>) src(%dma_wait3A_18 : memref<640xf32, #tpu.memory_space<vmem_shared>>) dst(%dma_wait3A_17 : memref<640xf32, #tpu.memory_space<hbm>>)
      tpu.yield
    }) : () -> ()
    return
  }
}

#map = affine_map<(d0, d1) -> (0, 0)>
#map1 = affine_map<(d0, d1) -> (0, 0, 0)>
module attributes {stable_mosaic.version = 14 : i64} {
  func.func @_edge_body(%arg0: i32, %arg1: i32, %arg2: memref<10240x16xf32, #tpu.memory_space<hbm>>, %arg3: memref<32x80x128xi32, #tpu.memory_space<hbm>>, %arg4: memref<32x80x128xi32, #tpu.memory_space<hbm>>, %arg5: memref<10240x16xf32, #tpu.memory_space<hbm>>, %arg6: memref<2x10240x16xf32, #tpu.memory_space<hbm>>, %arg7: memref<80x128xi32, #tpu.memory_space<vmem>>, %arg8: memref<80x128xi32, #tpu.memory_space<vmem>>, %arg9: memref<4x128x16xf32, #tpu.memory_space<vmem>>, %arg10: memref<10240x16xf32, #tpu.memory_space<vmem_shared>>, %arg11: memref<!tpu.dma_semaphore, #tpu.memory_space<semaphore_mem>>) attributes {dimension_semantics = [#tpu.dimension_semantics<core_parallel>, #tpu.dimension_semantics<subcore_parallel>], iteration_bounds = array<i64: 2, 16>, scalar_prefetch = 0 : i64, scratch_operands = 5 : i64, tpu.core_type = #tpu.core_type<sc_vector_subcore>, window_params = [{transform_indices = #map}, {transform_indices = #map1}, {transform_indices = #map1}, {transform_indices = #map}, {transform_indices = #map1}]} {
    %mul3A = arith.constant 640 : i32
    %mul3A_0 = arith.muli %arg1, %mul3A : i32
    %mul3A_1 = arith.constant 640 : i32
    %mul3A_2 = arith.muli %arg1, %mul3A_1 : i32
    "tpu.region"() ({
      %run_scoped3A = tpu.sem_alloc : memref<!tpu.dma_semaphore, #tpu.memory_space<semaphore_mem>>
      %dma_start3A = arith.constant 0 : i32
      %dma_start3A_15 = tpu.memref_slice %arg10[%mul3A_2, %dma_start3A] : memref<10240x16xf32, #tpu.memory_space<vmem_shared>> -> memref<640x16xf32, #tpu.memory_space<vmem_shared>>
      %dma_start3A_16 = arith.constant 0 : i32
      %dma_start3A_17 = tpu.memref_slice %arg5[%mul3A_0, %dma_start3A_16] : memref<10240x16xf32, #tpu.memory_space<hbm>> -> memref<640x16xf32, #tpu.memory_space<hbm>>
      tpu.enqueue_dma source(%dma_start3A_17 : memref<640x16xf32, #tpu.memory_space<hbm>>) target(%dma_start3A_15 : memref<640x16xf32, #tpu.memory_space<vmem_shared>>) target_semaphore(%run_scoped3A : memref<!tpu.dma_semaphore, #tpu.memory_space<semaphore_mem>>)
      %dma_wait3A = arith.constant 0 : i32
      %dma_wait3A_18 = tpu.memref_slice %arg10[%mul3A_2, %dma_wait3A] : memref<10240x16xf32, #tpu.memory_space<vmem_shared>> -> memref<640x16xf32, #tpu.memory_space<vmem_shared>>
      %dma_wait3A_19 = arith.constant 0 : i32
      %dma_wait3A_20 = tpu.memref_slice %arg5[%mul3A_0, %dma_wait3A_19] : memref<10240x16xf32, #tpu.memory_space<hbm>> -> memref<640x16xf32, #tpu.memory_space<hbm>>
      tpu.wait_dma2 semaphore(%run_scoped3A : memref<!tpu.dma_semaphore, #tpu.memory_space<semaphore_mem>>) src(%dma_wait3A_20 : memref<640x16xf32, #tpu.memory_space<hbm>>) dst(%dma_wait3A_18 : memref<640x16xf32, #tpu.memory_space<vmem_shared>>)
      tpu.yield
    }) : () -> ()
    %mul3A_3 = arith.constant 16 : i32
    %mul3A_4 = arith.muli %arg0, %mul3A_3 : i32
    %add3A = arith.addi %mul3A_4, %arg1 : i32
    "tpu.region"() ({
      %run_scoped3A = tpu.sem_alloc : memref<!tpu.dma_semaphore, #tpu.memory_space<semaphore_mem>>
      %dma_start3A = arith.constant 0 : i32
      %dma_start3A_15 = arith.constant 0 : i32
      %dma_start3A_16 = tpu.memref_slice %arg3[%add3A, %dma_start3A, %dma_start3A_15] : memref<32x80x128xi32, #tpu.memory_space<hbm>> -> memref<1x80x128xi32, #tpu.memory_space<hbm>>
      %dma_start3A_17 = tpu.memref_squeeze %dma_start3A_16 : memref<1x80x128xi32, #tpu.memory_space<hbm>> -> memref<80x128xi32, #tpu.memory_space<hbm>>
      %dma_start3A_18 = arith.constant 0 : i32
      %dma_start3A_19 = arith.constant 0 : i32
      %dma_start3A_20 = tpu.memref_slice %arg3[%add3A, %dma_start3A_18, %dma_start3A_19] : memref<32x80x128xi32, #tpu.memory_space<hbm>> -> memref<1x80x128xi32, #tpu.memory_space<hbm>>
      %dma_start3A_21 = tpu.memref_squeeze %dma_start3A_20 : memref<1x80x128xi32, #tpu.memory_space<hbm>> -> memref<80x128xi32, #tpu.memory_space<hbm>>
      tpu.enqueue_dma source(%dma_start3A_21 : memref<80x128xi32, #tpu.memory_space<hbm>>) target(%arg7 : memref<80x128xi32, #tpu.memory_space<vmem>>) target_semaphore(%run_scoped3A : memref<!tpu.dma_semaphore, #tpu.memory_space<semaphore_mem>>)
      %dma_wait3A = arith.constant 0 : i32
      %dma_wait3A_22 = arith.constant 0 : i32
      %dma_wait3A_23 = tpu.memref_slice %arg3[%add3A, %dma_wait3A, %dma_wait3A_22] : memref<32x80x128xi32, #tpu.memory_space<hbm>> -> memref<1x80x128xi32, #tpu.memory_space<hbm>>
      %dma_wait3A_24 = tpu.memref_squeeze %dma_wait3A_23 : memref<1x80x128xi32, #tpu.memory_space<hbm>> -> memref<80x128xi32, #tpu.memory_space<hbm>>
      %dma_wait3A_25 = arith.constant 0 : i32
      %dma_wait3A_26 = arith.constant 0 : i32
      %dma_wait3A_27 = tpu.memref_slice %arg3[%add3A, %dma_wait3A_25, %dma_wait3A_26] : memref<32x80x128xi32, #tpu.memory_space<hbm>> -> memref<1x80x128xi32, #tpu.memory_space<hbm>>
      %dma_wait3A_28 = tpu.memref_squeeze %dma_wait3A_27 : memref<1x80x128xi32, #tpu.memory_space<hbm>> -> memref<80x128xi32, #tpu.memory_space<hbm>>
      tpu.wait_dma2 semaphore(%run_scoped3A : memref<!tpu.dma_semaphore, #tpu.memory_space<semaphore_mem>>) src(%dma_wait3A_28 : memref<80x128xi32, #tpu.memory_space<hbm>>) dst(%arg7 : memref<80x128xi32, #tpu.memory_space<vmem>>)
      tpu.yield
    }) : () -> ()
    "tpu.region"() ({
      %run_scoped3A = tpu.sem_alloc : memref<!tpu.dma_semaphore, #tpu.memory_space<semaphore_mem>>
      %dma_start3A = arith.constant 0 : i32
      %dma_start3A_15 = arith.constant 0 : i32
      %dma_start3A_16 = tpu.memref_slice %arg4[%add3A, %dma_start3A, %dma_start3A_15] : memref<32x80x128xi32, #tpu.memory_space<hbm>> -> memref<1x80x128xi32, #tpu.memory_space<hbm>>
      %dma_start3A_17 = tpu.memref_squeeze %dma_start3A_16 : memref<1x80x128xi32, #tpu.memory_space<hbm>> -> memref<80x128xi32, #tpu.memory_space<hbm>>
      %dma_start3A_18 = arith.constant 0 : i32
      %dma_start3A_19 = arith.constant 0 : i32
      %dma_start3A_20 = tpu.memref_slice %arg4[%add3A, %dma_start3A_18, %dma_start3A_19] : memref<32x80x128xi32, #tpu.memory_space<hbm>> -> memref<1x80x128xi32, #tpu.memory_space<hbm>>
      %dma_start3A_21 = tpu.memref_squeeze %dma_start3A_20 : memref<1x80x128xi32, #tpu.memory_space<hbm>> -> memref<80x128xi32, #tpu.memory_space<hbm>>
      tpu.enqueue_dma source(%dma_start3A_21 : memref<80x128xi32, #tpu.memory_space<hbm>>) target(%arg8 : memref<80x128xi32, #tpu.memory_space<vmem>>) target_semaphore(%run_scoped3A : memref<!tpu.dma_semaphore, #tpu.memory_space<semaphore_mem>>)
      %dma_wait3A = arith.constant 0 : i32
      %dma_wait3A_22 = arith.constant 0 : i32
      %dma_wait3A_23 = tpu.memref_slice %arg4[%add3A, %dma_wait3A, %dma_wait3A_22] : memref<32x80x128xi32, #tpu.memory_space<hbm>> -> memref<1x80x128xi32, #tpu.memory_space<hbm>>
      %dma_wait3A_24 = tpu.memref_squeeze %dma_wait3A_23 : memref<1x80x128xi32, #tpu.memory_space<hbm>> -> memref<80x128xi32, #tpu.memory_space<hbm>>
      %dma_wait3A_25 = arith.constant 0 : i32
      %dma_wait3A_26 = arith.constant 0 : i32
      %dma_wait3A_27 = tpu.memref_slice %arg4[%add3A, %dma_wait3A_25, %dma_wait3A_26] : memref<32x80x128xi32, #tpu.memory_space<hbm>> -> memref<1x80x128xi32, #tpu.memory_space<hbm>>
      %dma_wait3A_28 = tpu.memref_squeeze %dma_wait3A_27 : memref<1x80x128xi32, #tpu.memory_space<hbm>> -> memref<80x128xi32, #tpu.memory_space<hbm>>
      tpu.wait_dma2 semaphore(%run_scoped3A : memref<!tpu.dma_semaphore, #tpu.memory_space<semaphore_mem>>) src(%dma_wait3A_28 : memref<80x128xi32, #tpu.memory_space<hbm>>) dst(%arg8 : memref<80x128xi32, #tpu.memory_space<vmem>>)
      tpu.yield
    }) : () -> ()
    %barrier3A = arith.constant 0 : index
    tpu.barrier barrier_id(%barrier3A)
    %scan3A = arith.constant 0 : i32
    %scan3A_5 = arith.constant 0 : i32
    %scan3A_6 = arith.constant 20 : i32
    %scan3A_7 = arith.addi %scan3A_5, %scan3A_6 : i32
    %scan3A_8 = arith.constant 1 : i32
    scf.for %scan3A_15 = %scan3A_5 to %scan3A_7 step %scan3A_8  : i32 {
      %mul3A_16 = arith.constant 4 : i32
      %mul3A_17 = arith.muli %scan3A_15, %mul3A_16 : i32
      %add3A_18 = arith.constant 0 : i32
      %add3A_19 = arith.addi %mul3A_17, %add3A_18 : i32
      %dma_start3A = arith.constant 0 : i32
      %dma_start3A_20 = arith.constant 0 : i32
      %dma_start3A_21 = arith.constant 0 : i32
      %dma_start3A_22 = tpu.memref_slice %arg9[%dma_start3A, %dma_start3A_20, %dma_start3A_21] : memref<4x128x16xf32, #tpu.memory_space<vmem>> -> memref<1x128x16xf32, #tpu.memory_space<vmem>>
      %dma_start3A_23 = tpu.memref_squeeze %dma_start3A_22 : memref<1x128x16xf32, #tpu.memory_space<vmem>> -> memref<128x16xf32, #tpu.memory_space<vmem>>
      %dma_start3A_24 = arith.constant 0 : i32
      %dma_start3A_25 = tpu.memref_slice %arg7[%add3A_19, %dma_start3A_24] : memref<80x128xi32, #tpu.memory_space<vmem>> -> memref<1x128xi32, #tpu.memory_space<vmem>>
      %dma_start3A_26 = tpu.memref_squeeze %dma_start3A_25 : memref<1x128xi32, #tpu.memory_space<vmem>> -> memref<128xi32, #tpu.memory_space<vmem>>
      %dma_start3A_27 = arith.constant 0 : i32
      %dma_start3A_28 = arith.constant 0 : i32
      %dma_start3A_29 = tpu.memref_slice %arg2[%dma_start3A_27, %dma_start3A_28] : memref<10240x16xf32, #tpu.memory_space<hbm>> -> memref<10240x16xf32, #tpu.memory_space<hbm>>
      tpu.enqueue_indirect_dma source(%dma_start3A_29 : memref<10240x16xf32, #tpu.memory_space<hbm>>) target(%dma_start3A_23 : memref<128x16xf32, #tpu.memory_space<vmem>>) offsets(%dma_start3A_26 : memref<128xi32, #tpu.memory_space<vmem>>) semaphore(%arg11 : memref<!tpu.dma_semaphore, #tpu.memory_space<semaphore_mem>>)
      %add3A_30 = arith.constant 1 : i32
      %add3A_31 = arith.addi %mul3A_17, %add3A_30 : i32
      %dma_start3A_32 = arith.constant 1 : i32
      %dma_start3A_33 = arith.constant 0 : i32
      %dma_start3A_34 = arith.constant 0 : i32
      %dma_start3A_35 = tpu.memref_slice %arg9[%dma_start3A_32, %dma_start3A_33, %dma_start3A_34] : memref<4x128x16xf32, #tpu.memory_space<vmem>> -> memref<1x128x16xf32, #tpu.memory_space<vmem>>
      %dma_start3A_36 = tpu.memref_squeeze %dma_start3A_35 : memref<1x128x16xf32, #tpu.memory_space<vmem>> -> memref<128x16xf32, #tpu.memory_space<vmem>>
      %dma_start3A_37 = arith.constant 0 : i32
      %dma_start3A_38 = tpu.memref_slice %arg7[%add3A_31, %dma_start3A_37] : memref<80x128xi32, #tpu.memory_space<vmem>> -> memref<1x128xi32, #tpu.memory_space<vmem>>
      %dma_start3A_39 = tpu.memref_squeeze %dma_start3A_38 : memref<1x128xi32, #tpu.memory_space<vmem>> -> memref<128xi32, #tpu.memory_space<vmem>>
      %dma_start3A_40 = arith.constant 0 : i32
      %dma_start3A_41 = arith.constant 0 : i32
      %dma_start3A_42 = tpu.memref_slice %arg2[%dma_start3A_40, %dma_start3A_41] : memref<10240x16xf32, #tpu.memory_space<hbm>> -> memref<10240x16xf32, #tpu.memory_space<hbm>>
      tpu.enqueue_indirect_dma source(%dma_start3A_42 : memref<10240x16xf32, #tpu.memory_space<hbm>>) target(%dma_start3A_36 : memref<128x16xf32, #tpu.memory_space<vmem>>) offsets(%dma_start3A_39 : memref<128xi32, #tpu.memory_space<vmem>>) semaphore(%arg11 : memref<!tpu.dma_semaphore, #tpu.memory_space<semaphore_mem>>)
      %add3A_43 = arith.constant 2 : i32
      %add3A_44 = arith.addi %mul3A_17, %add3A_43 : i32
      %dma_start3A_45 = arith.constant 2 : i32
      %dma_start3A_46 = arith.constant 0 : i32
      %dma_start3A_47 = arith.constant 0 : i32
      %dma_start3A_48 = tpu.memref_slice %arg9[%dma_start3A_45, %dma_start3A_46, %dma_start3A_47] : memref<4x128x16xf32, #tpu.memory_space<vmem>> -> memref<1x128x16xf32, #tpu.memory_space<vmem>>
      %dma_start3A_49 = tpu.memref_squeeze %dma_start3A_48 : memref<1x128x16xf32, #tpu.memory_space<vmem>> -> memref<128x16xf32, #tpu.memory_space<vmem>>
      %dma_start3A_50 = arith.constant 0 : i32
      %dma_start3A_51 = tpu.memref_slice %arg7[%add3A_44, %dma_start3A_50] : memref<80x128xi32, #tpu.memory_space<vmem>> -> memref<1x128xi32, #tpu.memory_space<vmem>>
      %dma_start3A_52 = tpu.memref_squeeze %dma_start3A_51 : memref<1x128xi32, #tpu.memory_space<vmem>> -> memref<128xi32, #tpu.memory_space<vmem>>
      %dma_start3A_53 = arith.constant 0 : i32
      %dma_start3A_54 = arith.constant 0 : i32
      %dma_start3A_55 = tpu.memref_slice %arg2[%dma_start3A_53, %dma_start3A_54] : memref<10240x16xf32, #tpu.memory_space<hbm>> -> memref<10240x16xf32, #tpu.memory_space<hbm>>
      tpu.enqueue_indirect_dma source(%dma_start3A_55 : memref<10240x16xf32, #tpu.memory_space<hbm>>) target(%dma_start3A_49 : memref<128x16xf32, #tpu.memory_space<vmem>>) offsets(%dma_start3A_52 : memref<128xi32, #tpu.memory_space<vmem>>) semaphore(%arg11 : memref<!tpu.dma_semaphore, #tpu.memory_space<semaphore_mem>>)
      %add3A_56 = arith.constant 3 : i32
      %add3A_57 = arith.addi %mul3A_17, %add3A_56 : i32
      %dma_start3A_58 = arith.constant 3 : i32
      %dma_start3A_59 = arith.constant 0 : i32
      %dma_start3A_60 = arith.constant 0 : i32
      %dma_start3A_61 = tpu.memref_slice %arg9[%dma_start3A_58, %dma_start3A_59, %dma_start3A_60] : memref<4x128x16xf32, #tpu.memory_space<vmem>> -> memref<1x128x16xf32, #tpu.memory_space<vmem>>
      %dma_start3A_62 = tpu.memref_squeeze %dma_start3A_61 : memref<1x128x16xf32, #tpu.memory_space<vmem>> -> memref<128x16xf32, #tpu.memory_space<vmem>>
      %dma_start3A_63 = arith.constant 0 : i32
      %dma_start3A_64 = tpu.memref_slice %arg7[%add3A_57, %dma_start3A_63] : memref<80x128xi32, #tpu.memory_space<vmem>> -> memref<1x128xi32, #tpu.memory_space<vmem>>
      %dma_start3A_65 = tpu.memref_squeeze %dma_start3A_64 : memref<1x128xi32, #tpu.memory_space<vmem>> -> memref<128xi32, #tpu.memory_space<vmem>>
      %dma_start3A_66 = arith.constant 0 : i32
      %dma_start3A_67 = arith.constant 0 : i32
      %dma_start3A_68 = tpu.memref_slice %arg2[%dma_start3A_66, %dma_start3A_67] : memref<10240x16xf32, #tpu.memory_space<hbm>> -> memref<10240x16xf32, #tpu.memory_space<hbm>>
      tpu.enqueue_indirect_dma source(%dma_start3A_68 : memref<10240x16xf32, #tpu.memory_space<hbm>>) target(%dma_start3A_62 : memref<128x16xf32, #tpu.memory_space<vmem>>) offsets(%dma_start3A_65 : memref<128xi32, #tpu.memory_space<vmem>>) semaphore(%arg11 : memref<!tpu.dma_semaphore, #tpu.memory_space<semaphore_mem>>)
      %dma_wait3A = arith.constant 0 : i32
      %dma_wait3A_69 = arith.constant 0 : i32
      %dma_wait3A_70 = arith.constant 0 : i32
      %dma_wait3A_71 = tpu.memref_slice %arg9[%dma_wait3A, %dma_wait3A_69, %dma_wait3A_70] : memref<4x128x16xf32, #tpu.memory_space<vmem>> -> memref<1x128x16xf32, #tpu.memory_space<vmem>>
      %dma_wait3A_72 = tpu.memref_squeeze %dma_wait3A_71 : memref<1x128x16xf32, #tpu.memory_space<vmem>> -> memref<128x16xf32, #tpu.memory_space<vmem>>
      %dma_wait3A_73 = arith.constant 0 : i32
      %dma_wait3A_74 = tpu.memref_slice %arg7[%add3A_19, %dma_wait3A_73] : memref<80x128xi32, #tpu.memory_space<vmem>> -> memref<1x128xi32, #tpu.memory_space<vmem>>
      %dma_wait3A_75 = tpu.memref_squeeze %dma_wait3A_74 : memref<1x128xi32, #tpu.memory_space<vmem>> -> memref<128xi32, #tpu.memory_space<vmem>>
      %dma_wait3A_76 = arith.constant 0 : i32
      %dma_wait3A_77 = arith.constant 0 : i32
      %dma_wait3A_78 = tpu.memref_slice %arg2[%dma_wait3A_76, %dma_wait3A_77] : memref<10240x16xf32, #tpu.memory_space<hbm>> -> memref<10240x16xf32, #tpu.memory_space<hbm>>
      tpu.wait_indirect_dma semaphore(%arg11 : memref<!tpu.dma_semaphore, #tpu.memory_space<semaphore_mem>>) src(%dma_wait3A_78 : memref<10240x16xf32, #tpu.memory_space<hbm>>) dst(%dma_wait3A_72 : memref<128x16xf32, #tpu.memory_space<vmem>>)
      %dma_wait3A_79 = arith.constant 1 : i32
      %dma_wait3A_80 = arith.constant 0 : i32
      %dma_wait3A_81 = arith.constant 0 : i32
      %dma_wait3A_82 = tpu.memref_slice %arg9[%dma_wait3A_79, %dma_wait3A_80, %dma_wait3A_81] : memref<4x128x16xf32, #tpu.memory_space<vmem>> -> memref<1x128x16xf32, #tpu.memory_space<vmem>>
      %dma_wait3A_83 = tpu.memref_squeeze %dma_wait3A_82 : memref<1x128x16xf32, #tpu.memory_space<vmem>> -> memref<128x16xf32, #tpu.memory_space<vmem>>
      %dma_wait3A_84 = arith.constant 0 : i32
      %dma_wait3A_85 = tpu.memref_slice %arg7[%add3A_31, %dma_wait3A_84] : memref<80x128xi32, #tpu.memory_space<vmem>> -> memref<1x128xi32, #tpu.memory_space<vmem>>
      %dma_wait3A_86 = tpu.memref_squeeze %dma_wait3A_85 : memref<1x128xi32, #tpu.memory_space<vmem>> -> memref<128xi32, #tpu.memory_space<vmem>>
      %dma_wait3A_87 = arith.constant 0 : i32
      %dma_wait3A_88 = arith.constant 0 : i32
      %dma_wait3A_89 = tpu.memref_slice %arg2[%dma_wait3A_87, %dma_wait3A_88] : memref<10240x16xf32, #tpu.memory_space<hbm>> -> memref<10240x16xf32, #tpu.memory_space<hbm>>
      tpu.wait_indirect_dma semaphore(%arg11 : memref<!tpu.dma_semaphore, #tpu.memory_space<semaphore_mem>>) src(%dma_wait3A_89 : memref<10240x16xf32, #tpu.memory_space<hbm>>) dst(%dma_wait3A_83 : memref<128x16xf32, #tpu.memory_space<vmem>>)
      %dma_wait3A_90 = arith.constant 2 : i32
      %dma_wait3A_91 = arith.constant 0 : i32
      %dma_wait3A_92 = arith.constant 0 : i32
      %dma_wait3A_93 = tpu.memref_slice %arg9[%dma_wait3A_90, %dma_wait3A_91, %dma_wait3A_92] : memref<4x128x16xf32, #tpu.memory_space<vmem>> -> memref<1x128x16xf32, #tpu.memory_space<vmem>>
      %dma_wait3A_94 = tpu.memref_squeeze %dma_wait3A_93 : memref<1x128x16xf32, #tpu.memory_space<vmem>> -> memref<128x16xf32, #tpu.memory_space<vmem>>
      %dma_wait3A_95 = arith.constant 0 : i32
      %dma_wait3A_96 = tpu.memref_slice %arg7[%add3A_44, %dma_wait3A_95] : memref<80x128xi32, #tpu.memory_space<vmem>> -> memref<1x128xi32, #tpu.memory_space<vmem>>
      %dma_wait3A_97 = tpu.memref_squeeze %dma_wait3A_96 : memref<1x128xi32, #tpu.memory_space<vmem>> -> memref<128xi32, #tpu.memory_space<vmem>>
      %dma_wait3A_98 = arith.constant 0 : i32
      %dma_wait3A_99 = arith.constant 0 : i32
      %dma_wait3A_100 = tpu.memref_slice %arg2[%dma_wait3A_98, %dma_wait3A_99] : memref<10240x16xf32, #tpu.memory_space<hbm>> -> memref<10240x16xf32, #tpu.memory_space<hbm>>
      tpu.wait_indirect_dma semaphore(%arg11 : memref<!tpu.dma_semaphore, #tpu.memory_space<semaphore_mem>>) src(%dma_wait3A_100 : memref<10240x16xf32, #tpu.memory_space<hbm>>) dst(%dma_wait3A_94 : memref<128x16xf32, #tpu.memory_space<vmem>>)
      %dma_wait3A_101 = arith.constant 3 : i32
      %dma_wait3A_102 = arith.constant 0 : i32
      %dma_wait3A_103 = arith.constant 0 : i32
      %dma_wait3A_104 = tpu.memref_slice %arg9[%dma_wait3A_101, %dma_wait3A_102, %dma_wait3A_103] : memref<4x128x16xf32, #tpu.memory_space<vmem>> -> memref<1x128x16xf32, #tpu.memory_space<vmem>>
      %dma_wait3A_105 = tpu.memref_squeeze %dma_wait3A_104 : memref<1x128x16xf32, #tpu.memory_space<vmem>> -> memref<128x16xf32, #tpu.memory_space<vmem>>
      %dma_wait3A_106 = arith.constant 0 : i32
      %dma_wait3A_107 = tpu.memref_slice %arg7[%add3A_57, %dma_wait3A_106] : memref<80x128xi32, #tpu.memory_space<vmem>> -> memref<1x128xi32, #tpu.memory_space<vmem>>
      %dma_wait3A_108 = tpu.memref_squeeze %dma_wait3A_107 : memref<1x128xi32, #tpu.memory_space<vmem>> -> memref<128xi32, #tpu.memory_space<vmem>>
      %dma_wait3A_109 = arith.constant 0 : i32
      %dma_wait3A_110 = arith.constant 0 : i32
      %dma_wait3A_111 = tpu.memref_slice %arg2[%dma_wait3A_109, %dma_wait3A_110] : memref<10240x16xf32, #tpu.memory_space<hbm>> -> memref<10240x16xf32, #tpu.memory_space<hbm>>
      tpu.wait_indirect_dma semaphore(%arg11 : memref<!tpu.dma_semaphore, #tpu.memory_space<semaphore_mem>>) src(%dma_wait3A_111 : memref<10240x16xf32, #tpu.memory_space<hbm>>) dst(%dma_wait3A_105 : memref<128x16xf32, #tpu.memory_space<vmem>>)
      %add3A_112 = arith.constant 0 : i32
      %add3A_113 = arith.addi %mul3A_17, %add3A_112 : i32
      %run_scoped3A = arith.constant 0 : i32
      "tpu.region"() ({
        %run_scoped3A_123 = tpu.sem_alloc : memref<!tpu.dma_semaphore, #tpu.memory_space<semaphore_mem>>
        %dma_start3A_124 = arith.constant 0 : i32
        %dma_start3A_125 = arith.constant 0 : i32
        %dma_start3A_126 = tpu.memref_slice %arg9[%run_scoped3A, %dma_start3A_124, %dma_start3A_125] : memref<4x128x16xf32, #tpu.memory_space<vmem>> -> memref<1x128x16xf32, #tpu.memory_space<vmem>>
        %dma_start3A_127 = tpu.memref_squeeze %dma_start3A_126 : memref<1x128x16xf32, #tpu.memory_space<vmem>> -> memref<128x16xf32, #tpu.memory_space<vmem>>
        %dma_start3A_128 = arith.constant 0 : i32
        %dma_start3A_129 = tpu.memref_slice %arg8[%add3A_113, %dma_start3A_128] : memref<80x128xi32, #tpu.memory_space<vmem>> -> memref<1x128xi32, #tpu.memory_space<vmem>>
        %dma_start3A_130 = tpu.memref_squeeze %dma_start3A_129 : memref<1x128xi32, #tpu.memory_space<vmem>> -> memref<128xi32, #tpu.memory_space<vmem>>
        %dma_start3A_131 = arith.constant 0 : i32
        %dma_start3A_132 = arith.constant 0 : i32
        %dma_start3A_133 = tpu.memref_slice %arg10[%dma_start3A_131, %dma_start3A_132] : memref<10240x16xf32, #tpu.memory_space<vmem_shared>> -> memref<10240x16xf32, #tpu.memory_space<vmem_shared>>
        tpu.enqueue_indirect_dma source(%dma_start3A_127 : memref<128x16xf32, #tpu.memory_space<vmem>>) target(%dma_start3A_133 : memref<10240x16xf32, #tpu.memory_space<vmem_shared>>) offsets(%dma_start3A_130 : memref<128xi32, #tpu.memory_space<vmem>>) semaphore(%run_scoped3A_123 : memref<!tpu.dma_semaphore, #tpu.memory_space<semaphore_mem>>) {add = true}
        %dma_wait3A_134 = arith.constant 0 : i32
        %dma_wait3A_135 = arith.constant 0 : i32
        %dma_wait3A_136 = tpu.memref_slice %arg9[%run_scoped3A, %dma_wait3A_134, %dma_wait3A_135] : memref<4x128x16xf32, #tpu.memory_space<vmem>> -> memref<1x128x16xf32, #tpu.memory_space<vmem>>
        %dma_wait3A_137 = tpu.memref_squeeze %dma_wait3A_136 : memref<1x128x16xf32, #tpu.memory_space<vmem>> -> memref<128x16xf32, #tpu.memory_space<vmem>>
        %dma_wait3A_138 = arith.constant 0 : i32
        %dma_wait3A_139 = tpu.memref_slice %arg8[%add3A_113, %dma_wait3A_138] : memref<80x128xi32, #tpu.memory_space<vmem>> -> memref<1x128xi32, #tpu.memory_space<vmem>>
        %dma_wait3A_140 = tpu.memref_squeeze %dma_wait3A_139 : memref<1x128xi32, #tpu.memory_space<vmem>> -> memref<128xi32, #tpu.memory_space<vmem>>
        %dma_wait3A_141 = arith.constant 0 : i32
        %dma_wait3A_142 = arith.constant 0 : i32
        %dma_wait3A_143 = tpu.memref_slice %arg10[%dma_wait3A_141, %dma_wait3A_142] : memref<10240x16xf32, #tpu.memory_space<vmem_shared>> -> memref<10240x16xf32, #tpu.memory_space<vmem_shared>>
        tpu.wait_indirect_dma semaphore(%run_scoped3A_123 : memref<!tpu.dma_semaphore, #tpu.memory_space<semaphore_mem>>) src(%dma_wait3A_137 : memref<128x16xf32, #tpu.memory_space<vmem>>) dst(%dma_wait3A_143 : memref<10240x16xf32, #tpu.memory_space<vmem_shared>>)
        tpu.yield
      }) : () -> ()
      %add3A_114 = arith.constant 1 : i32
      %add3A_115 = arith.addi %mul3A_17, %add3A_114 : i32
      %run_scoped3A_116 = arith.constant 1 : i32
      "tpu.region"() ({
        %run_scoped3A_123 = tpu.sem_alloc : memref<!tpu.dma_semaphore, #tpu.memory_space<semaphore_mem>>
        %dma_start3A_124 = arith.constant 0 : i32
        %dma_start3A_125 = arith.constant 0 : i32
        %dma_start3A_126 = tpu.memref_slice %arg9[%run_scoped3A_116, %dma_start3A_124, %dma_start3A_125] : memref<4x128x16xf32, #tpu.memory_space<vmem>> -> memref<1x128x16xf32, #tpu.memory_space<vmem>>
        %dma_start3A_127 = tpu.memref_squeeze %dma_start3A_126 : memref<1x128x16xf32, #tpu.memory_space<vmem>> -> memref<128x16xf32, #tpu.memory_space<vmem>>
        %dma_start3A_128 = arith.constant 0 : i32
        %dma_start3A_129 = tpu.memref_slice %arg8[%add3A_115, %dma_start3A_128] : memref<80x128xi32, #tpu.memory_space<vmem>> -> memref<1x128xi32, #tpu.memory_space<vmem>>
        %dma_start3A_130 = tpu.memref_squeeze %dma_start3A_129 : memref<1x128xi32, #tpu.memory_space<vmem>> -> memref<128xi32, #tpu.memory_space<vmem>>
        %dma_start3A_131 = arith.constant 0 : i32
        %dma_start3A_132 = arith.constant 0 : i32
        %dma_start3A_133 = tpu.memref_slice %arg10[%dma_start3A_131, %dma_start3A_132] : memref<10240x16xf32, #tpu.memory_space<vmem_shared>> -> memref<10240x16xf32, #tpu.memory_space<vmem_shared>>
        tpu.enqueue_indirect_dma source(%dma_start3A_127 : memref<128x16xf32, #tpu.memory_space<vmem>>) target(%dma_start3A_133 : memref<10240x16xf32, #tpu.memory_space<vmem_shared>>) offsets(%dma_start3A_130 : memref<128xi32, #tpu.memory_space<vmem>>) semaphore(%run_scoped3A_123 : memref<!tpu.dma_semaphore, #tpu.memory_space<semaphore_mem>>) {add = true}
        %dma_wait3A_134 = arith.constant 0 : i32
        %dma_wait3A_135 = arith.constant 0 : i32
        %dma_wait3A_136 = tpu.memref_slice %arg9[%run_scoped3A_116, %dma_wait3A_134, %dma_wait3A_135] : memref<4x128x16xf32, #tpu.memory_space<vmem>> -> memref<1x128x16xf32, #tpu.memory_space<vmem>>
        %dma_wait3A_137 = tpu.memref_squeeze %dma_wait3A_136 : memref<1x128x16xf32, #tpu.memory_space<vmem>> -> memref<128x16xf32, #tpu.memory_space<vmem>>
        %dma_wait3A_138 = arith.constant 0 : i32
        %dma_wait3A_139 = tpu.memref_slice %arg8[%add3A_115, %dma_wait3A_138] : memref<80x128xi32, #tpu.memory_space<vmem>> -> memref<1x128xi32, #tpu.memory_space<vmem>>
        %dma_wait3A_140 = tpu.memref_squeeze %dma_wait3A_139 : memref<1x128xi32, #tpu.memory_space<vmem>> -> memref<128xi32, #tpu.memory_space<vmem>>
        %dma_wait3A_141 = arith.constant 0 : i32
        %dma_wait3A_142 = arith.constant 0 : i32
        %dma_wait3A_143 = tpu.memref_slice %arg10[%dma_wait3A_141, %dma_wait3A_142] : memref<10240x16xf32, #tpu.memory_space<vmem_shared>> -> memref<10240x16xf32, #tpu.memory_space<vmem_shared>>
        tpu.wait_indirect_dma semaphore(%run_scoped3A_123 : memref<!tpu.dma_semaphore, #tpu.memory_space<semaphore_mem>>) src(%dma_wait3A_137 : memref<128x16xf32, #tpu.memory_space<vmem>>) dst(%dma_wait3A_143 : memref<10240x16xf32, #tpu.memory_space<vmem_shared>>)
        tpu.yield
      }) : () -> ()
      %add3A_117 = arith.constant 2 : i32
      %add3A_118 = arith.addi %mul3A_17, %add3A_117 : i32
      %run_scoped3A_119 = arith.constant 2 : i32
      "tpu.region"() ({
        %run_scoped3A_123 = tpu.sem_alloc : memref<!tpu.dma_semaphore, #tpu.memory_space<semaphore_mem>>
        %dma_start3A_124 = arith.constant 0 : i32
        %dma_start3A_125 = arith.constant 0 : i32
        %dma_start3A_126 = tpu.memref_slice %arg9[%run_scoped3A_119, %dma_start3A_124, %dma_start3A_125] : memref<4x128x16xf32, #tpu.memory_space<vmem>> -> memref<1x128x16xf32, #tpu.memory_space<vmem>>
        %dma_start3A_127 = tpu.memref_squeeze %dma_start3A_126 : memref<1x128x16xf32, #tpu.memory_space<vmem>> -> memref<128x16xf32, #tpu.memory_space<vmem>>
        %dma_start3A_128 = arith.constant 0 : i32
        %dma_start3A_129 = tpu.memref_slice %arg8[%add3A_118, %dma_start3A_128] : memref<80x128xi32, #tpu.memory_space<vmem>> -> memref<1x128xi32, #tpu.memory_space<vmem>>
        %dma_start3A_130 = tpu.memref_squeeze %dma_start3A_129 : memref<1x128xi32, #tpu.memory_space<vmem>> -> memref<128xi32, #tpu.memory_space<vmem>>
        %dma_start3A_131 = arith.constant 0 : i32
        %dma_start3A_132 = arith.constant 0 : i32
        %dma_start3A_133 = tpu.memref_slice %arg10[%dma_start3A_131, %dma_start3A_132] : memref<10240x16xf32, #tpu.memory_space<vmem_shared>> -> memref<10240x16xf32, #tpu.memory_space<vmem_shared>>
        tpu.enqueue_indirect_dma source(%dma_start3A_127 : memref<128x16xf32, #tpu.memory_space<vmem>>) target(%dma_start3A_133 : memref<10240x16xf32, #tpu.memory_space<vmem_shared>>) offsets(%dma_start3A_130 : memref<128xi32, #tpu.memory_space<vmem>>) semaphore(%run_scoped3A_123 : memref<!tpu.dma_semaphore, #tpu.memory_space<semaphore_mem>>) {add = true}
        %dma_wait3A_134 = arith.constant 0 : i32
        %dma_wait3A_135 = arith.constant 0 : i32
        %dma_wait3A_136 = tpu.memref_slice %arg9[%run_scoped3A_119, %dma_wait3A_134, %dma_wait3A_135] : memref<4x128x16xf32, #tpu.memory_space<vmem>> -> memref<1x128x16xf32, #tpu.memory_space<vmem>>
        %dma_wait3A_137 = tpu.memref_squeeze %dma_wait3A_136 : memref<1x128x16xf32, #tpu.memory_space<vmem>> -> memref<128x16xf32, #tpu.memory_space<vmem>>
        %dma_wait3A_138 = arith.constant 0 : i32
        %dma_wait3A_139 = tpu.memref_slice %arg8[%add3A_118, %dma_wait3A_138] : memref<80x128xi32, #tpu.memory_space<vmem>> -> memref<1x128xi32, #tpu.memory_space<vmem>>
        %dma_wait3A_140 = tpu.memref_squeeze %dma_wait3A_139 : memref<1x128xi32, #tpu.memory_space<vmem>> -> memref<128xi32, #tpu.memory_space<vmem>>
        %dma_wait3A_141 = arith.constant 0 : i32
        %dma_wait3A_142 = arith.constant 0 : i32
        %dma_wait3A_143 = tpu.memref_slice %arg10[%dma_wait3A_141, %dma_wait3A_142] : memref<10240x16xf32, #tpu.memory_space<vmem_shared>> -> memref<10240x16xf32, #tpu.memory_space<vmem_shared>>
        tpu.wait_indirect_dma semaphore(%run_scoped3A_123 : memref<!tpu.dma_semaphore, #tpu.memory_space<semaphore_mem>>) src(%dma_wait3A_137 : memref<128x16xf32, #tpu.memory_space<vmem>>) dst(%dma_wait3A_143 : memref<10240x16xf32, #tpu.memory_space<vmem_shared>>)
        tpu.yield
      }) : () -> ()
      %add3A_120 = arith.constant 3 : i32
      %add3A_121 = arith.addi %mul3A_17, %add3A_120 : i32
      %run_scoped3A_122 = arith.constant 3 : i32
      "tpu.region"() ({
        %run_scoped3A_123 = tpu.sem_alloc : memref<!tpu.dma_semaphore, #tpu.memory_space<semaphore_mem>>
        %dma_start3A_124 = arith.constant 0 : i32
        %dma_start3A_125 = arith.constant 0 : i32
        %dma_start3A_126 = tpu.memref_slice %arg9[%run_scoped3A_122, %dma_start3A_124, %dma_start3A_125] : memref<4x128x16xf32, #tpu.memory_space<vmem>> -> memref<1x128x16xf32, #tpu.memory_space<vmem>>
        %dma_start3A_127 = tpu.memref_squeeze %dma_start3A_126 : memref<1x128x16xf32, #tpu.memory_space<vmem>> -> memref<128x16xf32, #tpu.memory_space<vmem>>
        %dma_start3A_128 = arith.constant 0 : i32
        %dma_start3A_129 = tpu.memref_slice %arg8[%add3A_121, %dma_start3A_128] : memref<80x128xi32, #tpu.memory_space<vmem>> -> memref<1x128xi32, #tpu.memory_space<vmem>>
        %dma_start3A_130 = tpu.memref_squeeze %dma_start3A_129 : memref<1x128xi32, #tpu.memory_space<vmem>> -> memref<128xi32, #tpu.memory_space<vmem>>
        %dma_start3A_131 = arith.constant 0 : i32
        %dma_start3A_132 = arith.constant 0 : i32
        %dma_start3A_133 = tpu.memref_slice %arg10[%dma_start3A_131, %dma_start3A_132] : memref<10240x16xf32, #tpu.memory_space<vmem_shared>> -> memref<10240x16xf32, #tpu.memory_space<vmem_shared>>
        tpu.enqueue_indirect_dma source(%dma_start3A_127 : memref<128x16xf32, #tpu.memory_space<vmem>>) target(%dma_start3A_133 : memref<10240x16xf32, #tpu.memory_space<vmem_shared>>) offsets(%dma_start3A_130 : memref<128xi32, #tpu.memory_space<vmem>>) semaphore(%run_scoped3A_123 : memref<!tpu.dma_semaphore, #tpu.memory_space<semaphore_mem>>) {add = true}
        %dma_wait3A_134 = arith.constant 0 : i32
        %dma_wait3A_135 = arith.constant 0 : i32
        %dma_wait3A_136 = tpu.memref_slice %arg9[%run_scoped3A_122, %dma_wait3A_134, %dma_wait3A_135] : memref<4x128x16xf32, #tpu.memory_space<vmem>> -> memref<1x128x16xf32, #tpu.memory_space<vmem>>
        %dma_wait3A_137 = tpu.memref_squeeze %dma_wait3A_136 : memref<1x128x16xf32, #tpu.memory_space<vmem>> -> memref<128x16xf32, #tpu.memory_space<vmem>>
        %dma_wait3A_138 = arith.constant 0 : i32
        %dma_wait3A_139 = tpu.memref_slice %arg8[%add3A_121, %dma_wait3A_138] : memref<80x128xi32, #tpu.memory_space<vmem>> -> memref<1x128xi32, #tpu.memory_space<vmem>>
        %dma_wait3A_140 = tpu.memref_squeeze %dma_wait3A_139 : memref<1x128xi32, #tpu.memory_space<vmem>> -> memref<128xi32, #tpu.memory_space<vmem>>
        %dma_wait3A_141 = arith.constant 0 : i32
        %dma_wait3A_142 = arith.constant 0 : i32
        %dma_wait3A_143 = tpu.memref_slice %arg10[%dma_wait3A_141, %dma_wait3A_142] : memref<10240x16xf32, #tpu.memory_space<vmem_shared>> -> memref<10240x16xf32, #tpu.memory_space<vmem_shared>>
        tpu.wait_indirect_dma semaphore(%run_scoped3A_123 : memref<!tpu.dma_semaphore, #tpu.memory_space<semaphore_mem>>) src(%dma_wait3A_137 : memref<128x16xf32, #tpu.memory_space<vmem>>) dst(%dma_wait3A_143 : memref<10240x16xf32, #tpu.memory_space<vmem_shared>>)
        tpu.yield
      }) : () -> ()
    }
    %scan3A_9 = arith.constant 20 : i32
    %barrier3A_10 = arith.constant 0 : index
    tpu.barrier barrier_id(%barrier3A_10)
    %mul3A_11 = arith.constant 640 : i32
    %mul3A_12 = arith.muli %arg1, %mul3A_11 : i32
    %mul3A_13 = arith.constant 640 : i32
    %mul3A_14 = arith.muli %arg1, %mul3A_13 : i32
    "tpu.region"() ({
      %run_scoped3A = tpu.sem_alloc : memref<!tpu.dma_semaphore, #tpu.memory_space<semaphore_mem>>
      %dma_start3A = arith.constant 0 : i32
      %dma_start3A_15 = tpu.memref_slice %arg6[%arg0, %mul3A_14, %dma_start3A] : memref<2x10240x16xf32, #tpu.memory_space<hbm>> -> memref<1x640x16xf32, #tpu.memory_space<hbm>>
      %dma_start3A_16 = tpu.memref_squeeze %dma_start3A_15 : memref<1x640x16xf32, #tpu.memory_space<hbm>> -> memref<640x16xf32, #tpu.memory_space<hbm>>
      %dma_start3A_17 = arith.constant 0 : i32
      %dma_start3A_18 = tpu.memref_slice %arg10[%mul3A_12, %dma_start3A_17] : memref<10240x16xf32, #tpu.memory_space<vmem_shared>> -> memref<640x16xf32, #tpu.memory_space<vmem_shared>>
      tpu.enqueue_dma source(%dma_start3A_18 : memref<640x16xf32, #tpu.memory_space<vmem_shared>>) target(%dma_start3A_16 : memref<640x16xf32, #tpu.memory_space<hbm>>) target_semaphore(%run_scoped3A : memref<!tpu.dma_semaphore, #tpu.memory_space<semaphore_mem>>)
      %dma_wait3A = arith.constant 0 : i32
      %dma_wait3A_19 = tpu.memref_slice %arg6[%arg0, %mul3A_14, %dma_wait3A] : memref<2x10240x16xf32, #tpu.memory_space<hbm>> -> memref<1x640x16xf32, #tpu.memory_space<hbm>>
      %dma_wait3A_20 = tpu.memref_squeeze %dma_wait3A_19 : memref<1x640x16xf32, #tpu.memory_space<hbm>> -> memref<640x16xf32, #tpu.memory_space<hbm>>
      %dma_wait3A_21 = arith.constant 0 : i32
      %dma_wait3A_22 = tpu.memref_slice %arg10[%mul3A_12, %dma_wait3A_21] : memref<10240x16xf32, #tpu.memory_space<vmem_shared>> -> memref<640x16xf32, #tpu.memory_space<vmem_shared>>
      tpu.wait_dma2 semaphore(%run_scoped3A : memref<!tpu.dma_semaphore, #tpu.memory_space<semaphore_mem>>) src(%dma_wait3A_22 : memref<640x16xf32, #tpu.memory_space<vmem_shared>>) dst(%dma_wait3A_20 : memref<640x16xf32, #tpu.memory_space<hbm>>)
      tpu.yield
    }) : () -> ()
    return
  }
}

#map = affine_map<(d0, d1) -> (0, 0)>
#map1 = affine_map<(d0, d1) -> (0, 0, 0)>
module attributes {stable_mosaic.version = 14 : i64} {
  func.func @_edge_body(%arg0: i32, %arg1: i32, %arg2: memref<10240x16xf32, #tpu.memory_space<hbm>>, %arg3: memref<32x80x128xi32, #tpu.memory_space<hbm>>, %arg4: memref<32x80x128xi32, #tpu.memory_space<hbm>>, %arg5: memref<10240x16xf32, #tpu.memory_space<hbm>>, %arg6: memref<2x10240x16xf32, #tpu.memory_space<hbm>>, %arg7: memref<80x128xi32, #tpu.memory_space<vmem>>, %arg8: memref<80x128xi32, #tpu.memory_space<vmem>>, %arg9: memref<4x128x16xf32, #tpu.memory_space<vmem>>, %arg10: memref<10240x16xf32, #tpu.memory_space<vmem_shared>>, %arg11: memref<!tpu.dma_semaphore, #tpu.memory_space<semaphore_mem>>) attributes {dimension_semantics = [#tpu.dimension_semantics<core_parallel>, #tpu.dimension_semantics<subcore_parallel>], iteration_bounds = array<i64: 2, 16>, scalar_prefetch = 0 : i64, scratch_operands = 5 : i64, tpu.core_type = #tpu.core_type<sc_vector_subcore>, window_params = [{transform_indices = #map}, {transform_indices = #map1}, {transform_indices = #map1}, {transform_indices = #map}, {transform_indices = #map1}]} {
    %mul3A = arith.constant 640 : i32
    %mul3A_0 = arith.muli %arg1, %mul3A : i32
    %mul3A_1 = arith.constant 640 : i32
    %mul3A_2 = arith.muli %arg1, %mul3A_1 : i32
    "tpu.region"() ({
      %run_scoped3A = tpu.sem_alloc : memref<!tpu.dma_semaphore, #tpu.memory_space<semaphore_mem>>
      %dma_start3A = arith.constant 0 : i32
      %dma_start3A_15 = tpu.memref_slice %arg10[%mul3A_2, %dma_start3A] : memref<10240x16xf32, #tpu.memory_space<vmem_shared>> -> memref<640x16xf32, #tpu.memory_space<vmem_shared>>
      %dma_start3A_16 = arith.constant 0 : i32
      %dma_start3A_17 = tpu.memref_slice %arg5[%mul3A_0, %dma_start3A_16] : memref<10240x16xf32, #tpu.memory_space<hbm>> -> memref<640x16xf32, #tpu.memory_space<hbm>>
      tpu.enqueue_dma source(%dma_start3A_17 : memref<640x16xf32, #tpu.memory_space<hbm>>) target(%dma_start3A_15 : memref<640x16xf32, #tpu.memory_space<vmem_shared>>) target_semaphore(%run_scoped3A : memref<!tpu.dma_semaphore, #tpu.memory_space<semaphore_mem>>)
      %dma_wait3A = arith.constant 0 : i32
      %dma_wait3A_18 = tpu.memref_slice %arg10[%mul3A_2, %dma_wait3A] : memref<10240x16xf32, #tpu.memory_space<vmem_shared>> -> memref<640x16xf32, #tpu.memory_space<vmem_shared>>
      %dma_wait3A_19 = arith.constant 0 : i32
      %dma_wait3A_20 = tpu.memref_slice %arg5[%mul3A_0, %dma_wait3A_19] : memref<10240x16xf32, #tpu.memory_space<hbm>> -> memref<640x16xf32, #tpu.memory_space<hbm>>
      tpu.wait_dma2 semaphore(%run_scoped3A : memref<!tpu.dma_semaphore, #tpu.memory_space<semaphore_mem>>) src(%dma_wait3A_20 : memref<640x16xf32, #tpu.memory_space<hbm>>) dst(%dma_wait3A_18 : memref<640x16xf32, #tpu.memory_space<vmem_shared>>)
      tpu.yield
    }) : () -> ()
    %mul3A_3 = arith.constant 16 : i32
    %mul3A_4 = arith.muli %arg0, %mul3A_3 : i32
    %add3A = arith.addi %mul3A_4, %arg1 : i32
    "tpu.region"() ({
      %run_scoped3A = tpu.sem_alloc : memref<!tpu.dma_semaphore, #tpu.memory_space<semaphore_mem>>
      %dma_start3A = arith.constant 0 : i32
      %dma_start3A_15 = arith.constant 0 : i32
      %dma_start3A_16 = tpu.memref_slice %arg3[%add3A, %dma_start3A, %dma_start3A_15] : memref<32x80x128xi32, #tpu.memory_space<hbm>> -> memref<1x80x128xi32, #tpu.memory_space<hbm>>
      %dma_start3A_17 = tpu.memref_squeeze %dma_start3A_16 : memref<1x80x128xi32, #tpu.memory_space<hbm>> -> memref<80x128xi32, #tpu.memory_space<hbm>>
      %dma_start3A_18 = arith.constant 0 : i32
      %dma_start3A_19 = arith.constant 0 : i32
      %dma_start3A_20 = tpu.memref_slice %arg3[%add3A, %dma_start3A_18, %dma_start3A_19] : memref<32x80x128xi32, #tpu.memory_space<hbm>> -> memref<1x80x128xi32, #tpu.memory_space<hbm>>
      %dma_start3A_21 = tpu.memref_squeeze %dma_start3A_20 : memref<1x80x128xi32, #tpu.memory_space<hbm>> -> memref<80x128xi32, #tpu.memory_space<hbm>>
      tpu.enqueue_dma source(%dma_start3A_21 : memref<80x128xi32, #tpu.memory_space<hbm>>) target(%arg7 : memref<80x128xi32, #tpu.memory_space<vmem>>) target_semaphore(%run_scoped3A : memref<!tpu.dma_semaphore, #tpu.memory_space<semaphore_mem>>)
      %dma_wait3A = arith.constant 0 : i32
      %dma_wait3A_22 = arith.constant 0 : i32
      %dma_wait3A_23 = tpu.memref_slice %arg3[%add3A, %dma_wait3A, %dma_wait3A_22] : memref<32x80x128xi32, #tpu.memory_space<hbm>> -> memref<1x80x128xi32, #tpu.memory_space<hbm>>
      %dma_wait3A_24 = tpu.memref_squeeze %dma_wait3A_23 : memref<1x80x128xi32, #tpu.memory_space<hbm>> -> memref<80x128xi32, #tpu.memory_space<hbm>>
      %dma_wait3A_25 = arith.constant 0 : i32
      %dma_wait3A_26 = arith.constant 0 : i32
      %dma_wait3A_27 = tpu.memref_slice %arg3[%add3A, %dma_wait3A_25, %dma_wait3A_26] : memref<32x80x128xi32, #tpu.memory_space<hbm>> -> memref<1x80x128xi32, #tpu.memory_space<hbm>>
      %dma_wait3A_28 = tpu.memref_squeeze %dma_wait3A_27 : memref<1x80x128xi32, #tpu.memory_space<hbm>> -> memref<80x128xi32, #tpu.memory_space<hbm>>
      tpu.wait_dma2 semaphore(%run_scoped3A : memref<!tpu.dma_semaphore, #tpu.memory_space<semaphore_mem>>) src(%dma_wait3A_28 : memref<80x128xi32, #tpu.memory_space<hbm>>) dst(%arg7 : memref<80x128xi32, #tpu.memory_space<vmem>>)
      tpu.yield
    }) : () -> ()
    "tpu.region"() ({
      %run_scoped3A = tpu.sem_alloc : memref<!tpu.dma_semaphore, #tpu.memory_space<semaphore_mem>>
      %dma_start3A = arith.constant 0 : i32
      %dma_start3A_15 = arith.constant 0 : i32
      %dma_start3A_16 = tpu.memref_slice %arg4[%add3A, %dma_start3A, %dma_start3A_15] : memref<32x80x128xi32, #tpu.memory_space<hbm>> -> memref<1x80x128xi32, #tpu.memory_space<hbm>>
      %dma_start3A_17 = tpu.memref_squeeze %dma_start3A_16 : memref<1x80x128xi32, #tpu.memory_space<hbm>> -> memref<80x128xi32, #tpu.memory_space<hbm>>
      %dma_start3A_18 = arith.constant 0 : i32
      %dma_start3A_19 = arith.constant 0 : i32
      %dma_start3A_20 = tpu.memref_slice %arg4[%add3A, %dma_start3A_18, %dma_start3A_19] : memref<32x80x128xi32, #tpu.memory_space<hbm>> -> memref<1x80x128xi32, #tpu.memory_space<hbm>>
      %dma_start3A_21 = tpu.memref_squeeze %dma_start3A_20 : memref<1x80x128xi32, #tpu.memory_space<hbm>> -> memref<80x128xi32, #tpu.memory_space<hbm>>
      tpu.enqueue_dma source(%dma_start3A_21 : memref<80x128xi32, #tpu.memory_space<hbm>>) target(%arg8 : memref<80x128xi32, #tpu.memory_space<vmem>>) target_semaphore(%run_scoped3A : memref<!tpu.dma_semaphore, #tpu.memory_space<semaphore_mem>>)
      %dma_wait3A = arith.constant 0 : i32
      %dma_wait3A_22 = arith.constant 0 : i32
      %dma_wait3A_23 = tpu.memref_slice %arg4[%add3A, %dma_wait3A, %dma_wait3A_22] : memref<32x80x128xi32, #tpu.memory_space<hbm>> -> memref<1x80x128xi32, #tpu.memory_space<hbm>>
      %dma_wait3A_24 = tpu.memref_squeeze %dma_wait3A_23 : memref<1x80x128xi32, #tpu.memory_space<hbm>> -> memref<80x128xi32, #tpu.memory_space<hbm>>
      %dma_wait3A_25 = arith.constant 0 : i32
      %dma_wait3A_26 = arith.constant 0 : i32
      %dma_wait3A_27 = tpu.memref_slice %arg4[%add3A, %dma_wait3A_25, %dma_wait3A_26] : memref<32x80x128xi32, #tpu.memory_space<hbm>> -> memref<1x80x128xi32, #tpu.memory_space<hbm>>
      %dma_wait3A_28 = tpu.memref_squeeze %dma_wait3A_27 : memref<1x80x128xi32, #tpu.memory_space<hbm>> -> memref<80x128xi32, #tpu.memory_space<hbm>>
      tpu.wait_dma2 semaphore(%run_scoped3A : memref<!tpu.dma_semaphore, #tpu.memory_space<semaphore_mem>>) src(%dma_wait3A_28 : memref<80x128xi32, #tpu.memory_space<hbm>>) dst(%arg8 : memref<80x128xi32, #tpu.memory_space<vmem>>)
      tpu.yield
    }) : () -> ()
    %barrier3A = arith.constant 0 : index
    tpu.barrier barrier_id(%barrier3A)
    %scan3A = arith.constant 0 : i32
    %scan3A_5 = arith.constant 0 : i32
    %scan3A_6 = arith.constant 20 : i32
    %scan3A_7 = arith.addi %scan3A_5, %scan3A_6 : i32
    %scan3A_8 = arith.constant 1 : i32
    scf.for %scan3A_15 = %scan3A_5 to %scan3A_7 step %scan3A_8  : i32 {
      %mul3A_16 = arith.constant 4 : i32
      %mul3A_17 = arith.muli %scan3A_15, %mul3A_16 : i32
      %add3A_18 = arith.constant 0 : i32
      %add3A_19 = arith.addi %mul3A_17, %add3A_18 : i32
      %dma_start3A = arith.constant 0 : i32
      %dma_start3A_20 = arith.constant 0 : i32
      %dma_start3A_21 = arith.constant 0 : i32
      %dma_start3A_22 = tpu.memref_slice %arg9[%dma_start3A, %dma_start3A_20, %dma_start3A_21] : memref<4x128x16xf32, #tpu.memory_space<vmem>> -> memref<1x128x16xf32, #tpu.memory_space<vmem>>
      %dma_start3A_23 = tpu.memref_squeeze %dma_start3A_22 : memref<1x128x16xf32, #tpu.memory_space<vmem>> -> memref<128x16xf32, #tpu.memory_space<vmem>>
      %dma_start3A_24 = arith.constant 0 : i32
      %dma_start3A_25 = tpu.memref_slice %arg7[%add3A_19, %dma_start3A_24] : memref<80x128xi32, #tpu.memory_space<vmem>> -> memref<1x128xi32, #tpu.memory_space<vmem>>
      %dma_start3A_26 = tpu.memref_squeeze %dma_start3A_25 : memref<1x128xi32, #tpu.memory_space<vmem>> -> memref<128xi32, #tpu.memory_space<vmem>>
      %dma_start3A_27 = arith.constant 0 : i32
      %dma_start3A_28 = arith.constant 0 : i32
      %dma_start3A_29 = tpu.memref_slice %arg2[%dma_start3A_27, %dma_start3A_28] : memref<10240x16xf32, #tpu.memory_space<hbm>> -> memref<10240x16xf32, #tpu.memory_space<hbm>>
      tpu.enqueue_indirect_dma source(%dma_start3A_29 : memref<10240x16xf32, #tpu.memory_space<hbm>>) target(%dma_start3A_23 : memref<128x16xf32, #tpu.memory_space<vmem>>) offsets(%dma_start3A_26 : memref<128xi32, #tpu.memory_space<vmem>>) semaphore(%arg11 : memref<!tpu.dma_semaphore, #tpu.memory_space<semaphore_mem>>)
      %add3A_30 = arith.constant 1 : i32
      %add3A_31 = arith.addi %mul3A_17, %add3A_30 : i32
      %dma_start3A_32 = arith.constant 1 : i32
      %dma_start3A_33 = arith.constant 0 : i32
      %dma_start3A_34 = arith.constant 0 : i32
      %dma_start3A_35 = tpu.memref_slice %arg9[%dma_start3A_32, %dma_start3A_33, %dma_start3A_34] : memref<4x128x16xf32, #tpu.memory_space<vmem>> -> memref<1x128x16xf32, #tpu.memory_space<vmem>>
      %dma_start3A_36 = tpu.memref_squeeze %dma_start3A_35 : memref<1x128x16xf32, #tpu.memory_space<vmem>> -> memref<128x16xf32, #tpu.memory_space<vmem>>
      %dma_start3A_37 = arith.constant 0 : i32
      %dma_start3A_38 = tpu.memref_slice %arg7[%add3A_31, %dma_start3A_37] : memref<80x128xi32, #tpu.memory_space<vmem>> -> memref<1x128xi32, #tpu.memory_space<vmem>>
      %dma_start3A_39 = tpu.memref_squeeze %dma_start3A_38 : memref<1x128xi32, #tpu.memory_space<vmem>> -> memref<128xi32, #tpu.memory_space<vmem>>
      %dma_start3A_40 = arith.constant 0 : i32
      %dma_start3A_41 = arith.constant 0 : i32
      %dma_start3A_42 = tpu.memref_slice %arg2[%dma_start3A_40, %dma_start3A_41] : memref<10240x16xf32, #tpu.memory_space<hbm>> -> memref<10240x16xf32, #tpu.memory_space<hbm>>
      tpu.enqueue_indirect_dma source(%dma_start3A_42 : memref<10240x16xf32, #tpu.memory_space<hbm>>) target(%dma_start3A_36 : memref<128x16xf32, #tpu.memory_space<vmem>>) offsets(%dma_start3A_39 : memref<128xi32, #tpu.memory_space<vmem>>) semaphore(%arg11 : memref<!tpu.dma_semaphore, #tpu.memory_space<semaphore_mem>>)
      %add3A_43 = arith.constant 2 : i32
      %add3A_44 = arith.addi %mul3A_17, %add3A_43 : i32
      %dma_start3A_45 = arith.constant 2 : i32
      %dma_start3A_46 = arith.constant 0 : i32
      %dma_start3A_47 = arith.constant 0 : i32
      %dma_start3A_48 = tpu.memref_slice %arg9[%dma_start3A_45, %dma_start3A_46, %dma_start3A_47] : memref<4x128x16xf32, #tpu.memory_space<vmem>> -> memref<1x128x16xf32, #tpu.memory_space<vmem>>
      %dma_start3A_49 = tpu.memref_squeeze %dma_start3A_48 : memref<1x128x16xf32, #tpu.memory_space<vmem>> -> memref<128x16xf32, #tpu.memory_space<vmem>>
      %dma_start3A_50 = arith.constant 0 : i32
      %dma_start3A_51 = tpu.memref_slice %arg7[%add3A_44, %dma_start3A_50] : memref<80x128xi32, #tpu.memory_space<vmem>> -> memref<1x128xi32, #tpu.memory_space<vmem>>
      %dma_start3A_52 = tpu.memref_squeeze %dma_start3A_51 : memref<1x128xi32, #tpu.memory_space<vmem>> -> memref<128xi32, #tpu.memory_space<vmem>>
      %dma_start3A_53 = arith.constant 0 : i32
      %dma_start3A_54 = arith.constant 0 : i32
      %dma_start3A_55 = tpu.memref_slice %arg2[%dma_start3A_53, %dma_start3A_54] : memref<10240x16xf32, #tpu.memory_space<hbm>> -> memref<10240x16xf32, #tpu.memory_space<hbm>>
      tpu.enqueue_indirect_dma source(%dma_start3A_55 : memref<10240x16xf32, #tpu.memory_space<hbm>>) target(%dma_start3A_49 : memref<128x16xf32, #tpu.memory_space<vmem>>) offsets(%dma_start3A_52 : memref<128xi32, #tpu.memory_space<vmem>>) semaphore(%arg11 : memref<!tpu.dma_semaphore, #tpu.memory_space<semaphore_mem>>)
      %add3A_56 = arith.constant 3 : i32
      %add3A_57 = arith.addi %mul3A_17, %add3A_56 : i32
      %dma_start3A_58 = arith.constant 3 : i32
      %dma_start3A_59 = arith.constant 0 : i32
      %dma_start3A_60 = arith.constant 0 : i32
      %dma_start3A_61 = tpu.memref_slice %arg9[%dma_start3A_58, %dma_start3A_59, %dma_start3A_60] : memref<4x128x16xf32, #tpu.memory_space<vmem>> -> memref<1x128x16xf32, #tpu.memory_space<vmem>>
      %dma_start3A_62 = tpu.memref_squeeze %dma_start3A_61 : memref<1x128x16xf32, #tpu.memory_space<vmem>> -> memref<128x16xf32, #tpu.memory_space<vmem>>
      %dma_start3A_63 = arith.constant 0 : i32
      %dma_start3A_64 = tpu.memref_slice %arg7[%add3A_57, %dma_start3A_63] : memref<80x128xi32, #tpu.memory_space<vmem>> -> memref<1x128xi32, #tpu.memory_space<vmem>>
      %dma_start3A_65 = tpu.memref_squeeze %dma_start3A_64 : memref<1x128xi32, #tpu.memory_space<vmem>> -> memref<128xi32, #tpu.memory_space<vmem>>
      %dma_start3A_66 = arith.constant 0 : i32
      %dma_start3A_67 = arith.constant 0 : i32
      %dma_start3A_68 = tpu.memref_slice %arg2[%dma_start3A_66, %dma_start3A_67] : memref<10240x16xf32, #tpu.memory_space<hbm>> -> memref<10240x16xf32, #tpu.memory_space<hbm>>
      tpu.enqueue_indirect_dma source(%dma_start3A_68 : memref<10240x16xf32, #tpu.memory_space<hbm>>) target(%dma_start3A_62 : memref<128x16xf32, #tpu.memory_space<vmem>>) offsets(%dma_start3A_65 : memref<128xi32, #tpu.memory_space<vmem>>) semaphore(%arg11 : memref<!tpu.dma_semaphore, #tpu.memory_space<semaphore_mem>>)
      %dma_wait3A = arith.constant 0 : i32
      %dma_wait3A_69 = arith.constant 0 : i32
      %dma_wait3A_70 = arith.constant 0 : i32
      %dma_wait3A_71 = tpu.memref_slice %arg9[%dma_wait3A, %dma_wait3A_69, %dma_wait3A_70] : memref<4x128x16xf32, #tpu.memory_space<vmem>> -> memref<1x128x16xf32, #tpu.memory_space<vmem>>
      %dma_wait3A_72 = tpu.memref_squeeze %dma_wait3A_71 : memref<1x128x16xf32, #tpu.memory_space<vmem>> -> memref<128x16xf32, #tpu.memory_space<vmem>>
      %dma_wait3A_73 = arith.constant 0 : i32
      %dma_wait3A_74 = tpu.memref_slice %arg7[%add3A_19, %dma_wait3A_73] : memref<80x128xi32, #tpu.memory_space<vmem>> -> memref<1x128xi32, #tpu.memory_space<vmem>>
      %dma_wait3A_75 = tpu.memref_squeeze %dma_wait3A_74 : memref<1x128xi32, #tpu.memory_space<vmem>> -> memref<128xi32, #tpu.memory_space<vmem>>
      %dma_wait3A_76 = arith.constant 0 : i32
      %dma_wait3A_77 = arith.constant 0 : i32
      %dma_wait3A_78 = tpu.memref_slice %arg2[%dma_wait3A_76, %dma_wait3A_77] : memref<10240x16xf32, #tpu.memory_space<hbm>> -> memref<10240x16xf32, #tpu.memory_space<hbm>>
      tpu.wait_indirect_dma semaphore(%arg11 : memref<!tpu.dma_semaphore, #tpu.memory_space<semaphore_mem>>) src(%dma_wait3A_78 : memref<10240x16xf32, #tpu.memory_space<hbm>>) dst(%dma_wait3A_72 : memref<128x16xf32, #tpu.memory_space<vmem>>)
      %dma_wait3A_79 = arith.constant 1 : i32
      %dma_wait3A_80 = arith.constant 0 : i32
      %dma_wait3A_81 = arith.constant 0 : i32
      %dma_wait3A_82 = tpu.memref_slice %arg9[%dma_wait3A_79, %dma_wait3A_80, %dma_wait3A_81] : memref<4x128x16xf32, #tpu.memory_space<vmem>> -> memref<1x128x16xf32, #tpu.memory_space<vmem>>
      %dma_wait3A_83 = tpu.memref_squeeze %dma_wait3A_82 : memref<1x128x16xf32, #tpu.memory_space<vmem>> -> memref<128x16xf32, #tpu.memory_space<vmem>>
      %dma_wait3A_84 = arith.constant 0 : i32
      %dma_wait3A_85 = tpu.memref_slice %arg7[%add3A_31, %dma_wait3A_84] : memref<80x128xi32, #tpu.memory_space<vmem>> -> memref<1x128xi32, #tpu.memory_space<vmem>>
      %dma_wait3A_86 = tpu.memref_squeeze %dma_wait3A_85 : memref<1x128xi32, #tpu.memory_space<vmem>> -> memref<128xi32, #tpu.memory_space<vmem>>
      %dma_wait3A_87 = arith.constant 0 : i32
      %dma_wait3A_88 = arith.constant 0 : i32
      %dma_wait3A_89 = tpu.memref_slice %arg2[%dma_wait3A_87, %dma_wait3A_88] : memref<10240x16xf32, #tpu.memory_space<hbm>> -> memref<10240x16xf32, #tpu.memory_space<hbm>>
      tpu.wait_indirect_dma semaphore(%arg11 : memref<!tpu.dma_semaphore, #tpu.memory_space<semaphore_mem>>) src(%dma_wait3A_89 : memref<10240x16xf32, #tpu.memory_space<hbm>>) dst(%dma_wait3A_83 : memref<128x16xf32, #tpu.memory_space<vmem>>)
      %dma_wait3A_90 = arith.constant 2 : i32
      %dma_wait3A_91 = arith.constant 0 : i32
      %dma_wait3A_92 = arith.constant 0 : i32
      %dma_wait3A_93 = tpu.memref_slice %arg9[%dma_wait3A_90, %dma_wait3A_91, %dma_wait3A_92] : memref<4x128x16xf32, #tpu.memory_space<vmem>> -> memref<1x128x16xf32, #tpu.memory_space<vmem>>
      %dma_wait3A_94 = tpu.memref_squeeze %dma_wait3A_93 : memref<1x128x16xf32, #tpu.memory_space<vmem>> -> memref<128x16xf32, #tpu.memory_space<vmem>>
      %dma_wait3A_95 = arith.constant 0 : i32
      %dma_wait3A_96 = tpu.memref_slice %arg7[%add3A_44, %dma_wait3A_95] : memref<80x128xi32, #tpu.memory_space<vmem>> -> memref<1x128xi32, #tpu.memory_space<vmem>>
      %dma_wait3A_97 = tpu.memref_squeeze %dma_wait3A_96 : memref<1x128xi32, #tpu.memory_space<vmem>> -> memref<128xi32, #tpu.memory_space<vmem>>
      %dma_wait3A_98 = arith.constant 0 : i32
      %dma_wait3A_99 = arith.constant 0 : i32
      %dma_wait3A_100 = tpu.memref_slice %arg2[%dma_wait3A_98, %dma_wait3A_99] : memref<10240x16xf32, #tpu.memory_space<hbm>> -> memref<10240x16xf32, #tpu.memory_space<hbm>>
      tpu.wait_indirect_dma semaphore(%arg11 : memref<!tpu.dma_semaphore, #tpu.memory_space<semaphore_mem>>) src(%dma_wait3A_100 : memref<10240x16xf32, #tpu.memory_space<hbm>>) dst(%dma_wait3A_94 : memref<128x16xf32, #tpu.memory_space<vmem>>)
      %dma_wait3A_101 = arith.constant 3 : i32
      %dma_wait3A_102 = arith.constant 0 : i32
      %dma_wait3A_103 = arith.constant 0 : i32
      %dma_wait3A_104 = tpu.memref_slice %arg9[%dma_wait3A_101, %dma_wait3A_102, %dma_wait3A_103] : memref<4x128x16xf32, #tpu.memory_space<vmem>> -> memref<1x128x16xf32, #tpu.memory_space<vmem>>
      %dma_wait3A_105 = tpu.memref_squeeze %dma_wait3A_104 : memref<1x128x16xf32, #tpu.memory_space<vmem>> -> memref<128x16xf32, #tpu.memory_space<vmem>>
      %dma_wait3A_106 = arith.constant 0 : i32
      %dma_wait3A_107 = tpu.memref_slice %arg7[%add3A_57, %dma_wait3A_106] : memref<80x128xi32, #tpu.memory_space<vmem>> -> memref<1x128xi32, #tpu.memory_space<vmem>>
      %dma_wait3A_108 = tpu.memref_squeeze %dma_wait3A_107 : memref<1x128xi32, #tpu.memory_space<vmem>> -> memref<128xi32, #tpu.memory_space<vmem>>
      %dma_wait3A_109 = arith.constant 0 : i32
      %dma_wait3A_110 = arith.constant 0 : i32
      %dma_wait3A_111 = tpu.memref_slice %arg2[%dma_wait3A_109, %dma_wait3A_110] : memref<10240x16xf32, #tpu.memory_space<hbm>> -> memref<10240x16xf32, #tpu.memory_space<hbm>>
      tpu.wait_indirect_dma semaphore(%arg11 : memref<!tpu.dma_semaphore, #tpu.memory_space<semaphore_mem>>) src(%dma_wait3A_111 : memref<10240x16xf32, #tpu.memory_space<hbm>>) dst(%dma_wait3A_105 : memref<128x16xf32, #tpu.memory_space<vmem>>)
      %add3A_112 = arith.constant 0 : i32
      %add3A_113 = arith.addi %mul3A_17, %add3A_112 : i32
      %run_scoped3A = arith.constant 0 : i32
      "tpu.region"() ({
        %run_scoped3A_123 = tpu.sem_alloc : memref<!tpu.dma_semaphore, #tpu.memory_space<semaphore_mem>>
        %dma_start3A_124 = arith.constant 0 : i32
        %dma_start3A_125 = arith.constant 0 : i32
        %dma_start3A_126 = tpu.memref_slice %arg9[%run_scoped3A, %dma_start3A_124, %dma_start3A_125] : memref<4x128x16xf32, #tpu.memory_space<vmem>> -> memref<1x128x16xf32, #tpu.memory_space<vmem>>
        %dma_start3A_127 = tpu.memref_squeeze %dma_start3A_126 : memref<1x128x16xf32, #tpu.memory_space<vmem>> -> memref<128x16xf32, #tpu.memory_space<vmem>>
        %dma_start3A_128 = arith.constant 0 : i32
        %dma_start3A_129 = tpu.memref_slice %arg8[%add3A_113, %dma_start3A_128] : memref<80x128xi32, #tpu.memory_space<vmem>> -> memref<1x128xi32, #tpu.memory_space<vmem>>
        %dma_start3A_130 = tpu.memref_squeeze %dma_start3A_129 : memref<1x128xi32, #tpu.memory_space<vmem>> -> memref<128xi32, #tpu.memory_space<vmem>>
        %dma_start3A_131 = arith.constant 0 : i32
        %dma_start3A_132 = arith.constant 0 : i32
        %dma_start3A_133 = tpu.memref_slice %arg10[%dma_start3A_131, %dma_start3A_132] : memref<10240x16xf32, #tpu.memory_space<vmem_shared>> -> memref<10240x16xf32, #tpu.memory_space<vmem_shared>>
        tpu.enqueue_indirect_dma source(%dma_start3A_127 : memref<128x16xf32, #tpu.memory_space<vmem>>) target(%dma_start3A_133 : memref<10240x16xf32, #tpu.memory_space<vmem_shared>>) offsets(%dma_start3A_130 : memref<128xi32, #tpu.memory_space<vmem>>) semaphore(%run_scoped3A_123 : memref<!tpu.dma_semaphore, #tpu.memory_space<semaphore_mem>>) {add = true}
        %dma_wait3A_134 = arith.constant 0 : i32
        %dma_wait3A_135 = arith.constant 0 : i32
        %dma_wait3A_136 = tpu.memref_slice %arg9[%run_scoped3A, %dma_wait3A_134, %dma_wait3A_135] : memref<4x128x16xf32, #tpu.memory_space<vmem>> -> memref<1x128x16xf32, #tpu.memory_space<vmem>>
        %dma_wait3A_137 = tpu.memref_squeeze %dma_wait3A_136 : memref<1x128x16xf32, #tpu.memory_space<vmem>> -> memref<128x16xf32, #tpu.memory_space<vmem>>
        %dma_wait3A_138 = arith.constant 0 : i32
        %dma_wait3A_139 = tpu.memref_slice %arg8[%add3A_113, %dma_wait3A_138] : memref<80x128xi32, #tpu.memory_space<vmem>> -> memref<1x128xi32, #tpu.memory_space<vmem>>
        %dma_wait3A_140 = tpu.memref_squeeze %dma_wait3A_139 : memref<1x128xi32, #tpu.memory_space<vmem>> -> memref<128xi32, #tpu.memory_space<vmem>>
        %dma_wait3A_141 = arith.constant 0 : i32
        %dma_wait3A_142 = arith.constant 0 : i32
        %dma_wait3A_143 = tpu.memref_slice %arg10[%dma_wait3A_141, %dma_wait3A_142] : memref<10240x16xf32, #tpu.memory_space<vmem_shared>> -> memref<10240x16xf32, #tpu.memory_space<vmem_shared>>
        tpu.wait_indirect_dma semaphore(%run_scoped3A_123 : memref<!tpu.dma_semaphore, #tpu.memory_space<semaphore_mem>>) src(%dma_wait3A_137 : memref<128x16xf32, #tpu.memory_space<vmem>>) dst(%dma_wait3A_143 : memref<10240x16xf32, #tpu.memory_space<vmem_shared>>)
        tpu.yield
      }) : () -> ()
      %add3A_114 = arith.constant 1 : i32
      %add3A_115 = arith.addi %mul3A_17, %add3A_114 : i32
      %run_scoped3A_116 = arith.constant 1 : i32
      "tpu.region"() ({
        %run_scoped3A_123 = tpu.sem_alloc : memref<!tpu.dma_semaphore, #tpu.memory_space<semaphore_mem>>
        %dma_start3A_124 = arith.constant 0 : i32
        %dma_start3A_125 = arith.constant 0 : i32
        %dma_start3A_126 = tpu.memref_slice %arg9[%run_scoped3A_116, %dma_start3A_124, %dma_start3A_125] : memref<4x128x16xf32, #tpu.memory_space<vmem>> -> memref<1x128x16xf32, #tpu.memory_space<vmem>>
        %dma_start3A_127 = tpu.memref_squeeze %dma_start3A_126 : memref<1x128x16xf32, #tpu.memory_space<vmem>> -> memref<128x16xf32, #tpu.memory_space<vmem>>
        %dma_start3A_128 = arith.constant 0 : i32
        %dma_start3A_129 = tpu.memref_slice %arg8[%add3A_115, %dma_start3A_128] : memref<80x128xi32, #tpu.memory_space<vmem>> -> memref<1x128xi32, #tpu.memory_space<vmem>>
        %dma_start3A_130 = tpu.memref_squeeze %dma_start3A_129 : memref<1x128xi32, #tpu.memory_space<vmem>> -> memref<128xi32, #tpu.memory_space<vmem>>
        %dma_start3A_131 = arith.constant 0 : i32
        %dma_start3A_132 = arith.constant 0 : i32
        %dma_start3A_133 = tpu.memref_slice %arg10[%dma_start3A_131, %dma_start3A_132] : memref<10240x16xf32, #tpu.memory_space<vmem_shared>> -> memref<10240x16xf32, #tpu.memory_space<vmem_shared>>
        tpu.enqueue_indirect_dma source(%dma_start3A_127 : memref<128x16xf32, #tpu.memory_space<vmem>>) target(%dma_start3A_133 : memref<10240x16xf32, #tpu.memory_space<vmem_shared>>) offsets(%dma_start3A_130 : memref<128xi32, #tpu.memory_space<vmem>>) semaphore(%run_scoped3A_123 : memref<!tpu.dma_semaphore, #tpu.memory_space<semaphore_mem>>) {add = true}
        %dma_wait3A_134 = arith.constant 0 : i32
        %dma_wait3A_135 = arith.constant 0 : i32
        %dma_wait3A_136 = tpu.memref_slice %arg9[%run_scoped3A_116, %dma_wait3A_134, %dma_wait3A_135] : memref<4x128x16xf32, #tpu.memory_space<vmem>> -> memref<1x128x16xf32, #tpu.memory_space<vmem>>
        %dma_wait3A_137 = tpu.memref_squeeze %dma_wait3A_136 : memref<1x128x16xf32, #tpu.memory_space<vmem>> -> memref<128x16xf32, #tpu.memory_space<vmem>>
        %dma_wait3A_138 = arith.constant 0 : i32
        %dma_wait3A_139 = tpu.memref_slice %arg8[%add3A_115, %dma_wait3A_138] : memref<80x128xi32, #tpu.memory_space<vmem>> -> memref<1x128xi32, #tpu.memory_space<vmem>>
        %dma_wait3A_140 = tpu.memref_squeeze %dma_wait3A_139 : memref<1x128xi32, #tpu.memory_space<vmem>> -> memref<128xi32, #tpu.memory_space<vmem>>
        %dma_wait3A_141 = arith.constant 0 : i32
        %dma_wait3A_142 = arith.constant 0 : i32
        %dma_wait3A_143 = tpu.memref_slice %arg10[%dma_wait3A_141, %dma_wait3A_142] : memref<10240x16xf32, #tpu.memory_space<vmem_shared>> -> memref<10240x16xf32, #tpu.memory_space<vmem_shared>>
        tpu.wait_indirect_dma semaphore(%run_scoped3A_123 : memref<!tpu.dma_semaphore, #tpu.memory_space<semaphore_mem>>) src(%dma_wait3A_137 : memref<128x16xf32, #tpu.memory_space<vmem>>) dst(%dma_wait3A_143 : memref<10240x16xf32, #tpu.memory_space<vmem_shared>>)
        tpu.yield
      }) : () -> ()
      %add3A_117 = arith.constant 2 : i32
      %add3A_118 = arith.addi %mul3A_17, %add3A_117 : i32
      %run_scoped3A_119 = arith.constant 2 : i32
      "tpu.region"() ({
        %run_scoped3A_123 = tpu.sem_alloc : memref<!tpu.dma_semaphore, #tpu.memory_space<semaphore_mem>>
        %dma_start3A_124 = arith.constant 0 : i32
        %dma_start3A_125 = arith.constant 0 : i32
        %dma_start3A_126 = tpu.memref_slice %arg9[%run_scoped3A_119, %dma_start3A_124, %dma_start3A_125] : memref<4x128x16xf32, #tpu.memory_space<vmem>> -> memref<1x128x16xf32, #tpu.memory_space<vmem>>
        %dma_start3A_127 = tpu.memref_squeeze %dma_start3A_126 : memref<1x128x16xf32, #tpu.memory_space<vmem>> -> memref<128x16xf32, #tpu.memory_space<vmem>>
        %dma_start3A_128 = arith.constant 0 : i32
        %dma_start3A_129 = tpu.memref_slice %arg8[%add3A_118, %dma_start3A_128] : memref<80x128xi32, #tpu.memory_space<vmem>> -> memref<1x128xi32, #tpu.memory_space<vmem>>
        %dma_start3A_130 = tpu.memref_squeeze %dma_start3A_129 : memref<1x128xi32, #tpu.memory_space<vmem>> -> memref<128xi32, #tpu.memory_space<vmem>>
        %dma_start3A_131 = arith.constant 0 : i32
        %dma_start3A_132 = arith.constant 0 : i32
        %dma_start3A_133 = tpu.memref_slice %arg10[%dma_start3A_131, %dma_start3A_132] : memref<10240x16xf32, #tpu.memory_space<vmem_shared>> -> memref<10240x16xf32, #tpu.memory_space<vmem_shared>>
        tpu.enqueue_indirect_dma source(%dma_start3A_127 : memref<128x16xf32, #tpu.memory_space<vmem>>) target(%dma_start3A_133 : memref<10240x16xf32, #tpu.memory_space<vmem_shared>>) offsets(%dma_start3A_130 : memref<128xi32, #tpu.memory_space<vmem>>) semaphore(%run_scoped3A_123 : memref<!tpu.dma_semaphore, #tpu.memory_space<semaphore_mem>>) {add = true}
        %dma_wait3A_134 = arith.constant 0 : i32
        %dma_wait3A_135 = arith.constant 0 : i32
        %dma_wait3A_136 = tpu.memref_slice %arg9[%run_scoped3A_119, %dma_wait3A_134, %dma_wait3A_135] : memref<4x128x16xf32, #tpu.memory_space<vmem>> -> memref<1x128x16xf32, #tpu.memory_space<vmem>>
        %dma_wait3A_137 = tpu.memref_squeeze %dma_wait3A_136 : memref<1x128x16xf32, #tpu.memory_space<vmem>> -> memref<128x16xf32, #tpu.memory_space<vmem>>
        %dma_wait3A_138 = arith.constant 0 : i32
        %dma_wait3A_139 = tpu.memref_slice %arg8[%add3A_118, %dma_wait3A_138] : memref<80x128xi32, #tpu.memory_space<vmem>> -> memref<1x128xi32, #tpu.memory_space<vmem>>
        %dma_wait3A_140 = tpu.memref_squeeze %dma_wait3A_139 : memref<1x128xi32, #tpu.memory_space<vmem>> -> memref<128xi32, #tpu.memory_space<vmem>>
        %dma_wait3A_141 = arith.constant 0 : i32
        %dma_wait3A_142 = arith.constant 0 : i32
        %dma_wait3A_143 = tpu.memref_slice %arg10[%dma_wait3A_141, %dma_wait3A_142] : memref<10240x16xf32, #tpu.memory_space<vmem_shared>> -> memref<10240x16xf32, #tpu.memory_space<vmem_shared>>
        tpu.wait_indirect_dma semaphore(%run_scoped3A_123 : memref<!tpu.dma_semaphore, #tpu.memory_space<semaphore_mem>>) src(%dma_wait3A_137 : memref<128x16xf32, #tpu.memory_space<vmem>>) dst(%dma_wait3A_143 : memref<10240x16xf32, #tpu.memory_space<vmem_shared>>)
        tpu.yield
      }) : () -> ()
      %add3A_120 = arith.constant 3 : i32
      %add3A_121 = arith.addi %mul3A_17, %add3A_120 : i32
      %run_scoped3A_122 = arith.constant 3 : i32
      "tpu.region"() ({
        %run_scoped3A_123 = tpu.sem_alloc : memref<!tpu.dma_semaphore, #tpu.memory_space<semaphore_mem>>
        %dma_start3A_124 = arith.constant 0 : i32
        %dma_start3A_125 = arith.constant 0 : i32
        %dma_start3A_126 = tpu.memref_slice %arg9[%run_scoped3A_122, %dma_start3A_124, %dma_start3A_125] : memref<4x128x16xf32, #tpu.memory_space<vmem>> -> memref<1x128x16xf32, #tpu.memory_space<vmem>>
        %dma_start3A_127 = tpu.memref_squeeze %dma_start3A_126 : memref<1x128x16xf32, #tpu.memory_space<vmem>> -> memref<128x16xf32, #tpu.memory_space<vmem>>
        %dma_start3A_128 = arith.constant 0 : i32
        %dma_start3A_129 = tpu.memref_slice %arg8[%add3A_121, %dma_start3A_128] : memref<80x128xi32, #tpu.memory_space<vmem>> -> memref<1x128xi32, #tpu.memory_space<vmem>>
        %dma_start3A_130 = tpu.memref_squeeze %dma_start3A_129 : memref<1x128xi32, #tpu.memory_space<vmem>> -> memref<128xi32, #tpu.memory_space<vmem>>
        %dma_start3A_131 = arith.constant 0 : i32
        %dma_start3A_132 = arith.constant 0 : i32
        %dma_start3A_133 = tpu.memref_slice %arg10[%dma_start3A_131, %dma_start3A_132] : memref<10240x16xf32, #tpu.memory_space<vmem_shared>> -> memref<10240x16xf32, #tpu.memory_space<vmem_shared>>
        tpu.enqueue_indirect_dma source(%dma_start3A_127 : memref<128x16xf32, #tpu.memory_space<vmem>>) target(%dma_start3A_133 : memref<10240x16xf32, #tpu.memory_space<vmem_shared>>) offsets(%dma_start3A_130 : memref<128xi32, #tpu.memory_space<vmem>>) semaphore(%run_scoped3A_123 : memref<!tpu.dma_semaphore, #tpu.memory_space<semaphore_mem>>) {add = true}
        %dma_wait3A_134 = arith.constant 0 : i32
        %dma_wait3A_135 = arith.constant 0 : i32
        %dma_wait3A_136 = tpu.memref_slice %arg9[%run_scoped3A_122, %dma_wait3A_134, %dma_wait3A_135] : memref<4x128x16xf32, #tpu.memory_space<vmem>> -> memref<1x128x16xf32, #tpu.memory_space<vmem>>
        %dma_wait3A_137 = tpu.memref_squeeze %dma_wait3A_136 : memref<1x128x16xf32, #tpu.memory_space<vmem>> -> memref<128x16xf32, #tpu.memory_space<vmem>>
        %dma_wait3A_138 = arith.constant 0 : i32
        %dma_wait3A_139 = tpu.memref_slice %arg8[%add3A_121, %dma_wait3A_138] : memref<80x128xi32, #tpu.memory_space<vmem>> -> memref<1x128xi32, #tpu.memory_space<vmem>>
        %dma_wait3A_140 = tpu.memref_squeeze %dma_wait3A_139 : memref<1x128xi32, #tpu.memory_space<vmem>> -> memref<128xi32, #tpu.memory_space<vmem>>
        %dma_wait3A_141 = arith.constant 0 : i32
        %dma_wait3A_142 = arith.constant 0 : i32
        %dma_wait3A_143 = tpu.memref_slice %arg10[%dma_wait3A_141, %dma_wait3A_142] : memref<10240x16xf32, #tpu.memory_space<vmem_shared>> -> memref<10240x16xf32, #tpu.memory_space<vmem_shared>>
        tpu.wait_indirect_dma semaphore(%run_scoped3A_123 : memref<!tpu.dma_semaphore, #tpu.memory_space<semaphore_mem>>) src(%dma_wait3A_137 : memref<128x16xf32, #tpu.memory_space<vmem>>) dst(%dma_wait3A_143 : memref<10240x16xf32, #tpu.memory_space<vmem_shared>>)
        tpu.yield
      }) : () -> ()
    }
    %scan3A_9 = arith.constant 20 : i32
    %barrier3A_10 = arith.constant 0 : index
    tpu.barrier barrier_id(%barrier3A_10)
    %mul3A_11 = arith.constant 640 : i32
    %mul3A_12 = arith.muli %arg1, %mul3A_11 : i32
    %mul3A_13 = arith.constant 640 : i32
    %mul3A_14 = arith.muli %arg1, %mul3A_13 : i32
    "tpu.region"() ({
      %run_scoped3A = tpu.sem_alloc : memref<!tpu.dma_semaphore, #tpu.memory_space<semaphore_mem>>
      %dma_start3A = arith.constant 0 : i32
      %dma_start3A_15 = tpu.memref_slice %arg6[%arg0, %mul3A_14, %dma_start3A] : memref<2x10240x16xf32, #tpu.memory_space<hbm>> -> memref<1x640x16xf32, #tpu.memory_space<hbm>>
      %dma_start3A_16 = tpu.memref_squeeze %dma_start3A_15 : memref<1x640x16xf32, #tpu.memory_space<hbm>> -> memref<640x16xf32, #tpu.memory_space<hbm>>
      %dma_start3A_17 = arith.constant 0 : i32
      %dma_start3A_18 = tpu.memref_slice %arg10[%mul3A_12, %dma_start3A_17] : memref<10240x16xf32, #tpu.memory_space<vmem_shared>> -> memref<640x16xf32, #tpu.memory_space<vmem_shared>>
      tpu.enqueue_dma source(%dma_start3A_18 : memref<640x16xf32, #tpu.memory_space<vmem_shared>>) target(%dma_start3A_16 : memref<640x16xf32, #tpu.memory_space<hbm>>) target_semaphore(%run_scoped3A : memref<!tpu.dma_semaphore, #tpu.memory_space<semaphore_mem>>)
      %dma_wait3A = arith.constant 0 : i32
      %dma_wait3A_19 = tpu.memref_slice %arg6[%arg0, %mul3A_14, %dma_wait3A] : memref<2x10240x16xf32, #tpu.memory_space<hbm>> -> memref<1x640x16xf32, #tpu.memory_space<hbm>>
      %dma_wait3A_20 = tpu.memref_squeeze %dma_wait3A_19 : memref<1x640x16xf32, #tpu.memory_space<hbm>> -> memref<640x16xf32, #tpu.memory_space<hbm>>
      %dma_wait3A_21 = arith.constant 0 : i32
      %dma_wait3A_22 = tpu.memref_slice %arg10[%mul3A_12, %dma_wait3A_21] : memref<10240x16xf32, #tpu.memory_space<vmem_shared>> -> memref<640x16xf32, #tpu.memory_space<vmem_shared>>
      tpu.wait_dma2 semaphore(%run_scoped3A : memref<!tpu.dma_semaphore, #tpu.memory_space<semaphore_mem>>) src(%dma_wait3A_22 : memref<640x16xf32, #tpu.memory_space<vmem_shared>>) dst(%dma_wait3A_20 : memref<640x16xf32, #tpu.memory_space<hbm>>)
      tpu.yield
    }) : () -> ()
    return
  }
}

module attributes {stable_mosaic.version = 14 : i64} {
  func.func @_tc1_body(%arg0: i32, %arg1: memref<1024x128xf32, #tpu.memory_space<vmem>>, %arg2: memref<128x16xf32, #tpu.memory_space<vmem>>, %arg3: memref<1024x2xf32, #tpu.memory_space<vmem>>, %arg4: memref<1024x16xf32, #tpu.memory_space<vmem>>, %arg5: memref<1024x1xf32, #tpu.memory_space<vmem>>) attributes {dimension_semantics = [#tpu.dimension_semantics<arbitrary>], iteration_bounds = array<i64: 10>, scalar_prefetch = 0 : i64, scratch_operands = 0 : i64, tpu.core_type = #tpu.core_type<tc>, window_params = [{transform_indices = @transform_0, window_bounds = array<i64: 1024, 128>}, {pipeline_mode = #tpu.pipeline_mode<synchronous>, transform_indices = @transform_1, window_bounds = array<i64: 128, 16>}, {transform_indices = @transform_2, window_bounds = array<i64: 1024, 2>}, {transform_indices = @transform_3, window_bounds = array<i64: 1024, 16>}, {transform_indices = @transform_4, window_bounds = array<i64: 1024, 1>}]} {
    %get3A = arith.constant 0 : index
    %get3A_0 = arith.constant 0 : index
    %get3A_1 = vector.load %arg1[%get3A, %get3A_0] : memref<1024x128xf32, #tpu.memory_space<vmem>>, vector<1024x128xf32>
    %get3A_2 = arith.constant 0 : index
    %get3A_3 = arith.constant 0 : index
    %get3A_4 = vector.load %arg2[%get3A_2, %get3A_3] : memref<128x16xf32, #tpu.memory_space<vmem>>, vector<128x16xf32>
    %dot_general3A = arith.constant dense<0.000000e+00> : vector<1024x16xf32>
    %dot_general3A_5 = tpu.matmul %get3A_1, %get3A_4, %dot_general3A {dimension_numbers = #tpu.dot_dimension_numbers<[1], [0], [0], [1], [0, 0, 1, 1], [], []>, transpose_lhs_hint = false} : vector<1024x128xf32>, vector<128x16xf32>, vector<1024x16xf32> -> vector<1024x16xf32>
    %get3A_6 = arith.constant 0 : index
    %get3A_7 = arith.constant 0 : index
    %get3A_8 = vector.load %arg3[%get3A_6, %get3A_7] : memref<1024x2xf32, #tpu.memory_space<vmem>>, vector<1024x2xf32>
    %reduce_sum3A = arith.constant dense<0.000000e+00> : vector<1024xf32>
    %reduce_sum3A_9 = vector.multi_reduction <add>, %get3A_8, %reduce_sum3A [1] : vector<1024x2xf32> to vector<1024xf32>
    %broadcast_in_dim3A = vector.shape_cast %reduce_sum3A_9 : vector<1024xf32> to vector<1024x1xf32>
    %add3A = arith.constant 1.000000e+00 : f32
    %add3A_10 = vector.broadcast %add3A : f32 to vector<1024x1xf32>
    %add3A_11 = arith.addf %broadcast_in_dim3A, %add3A_10 : vector<1024x1xf32>
    %rsqrt3A = math.rsqrt %add3A_11 : vector<1024x1xf32>
    %mul3A = vector.broadcast %rsqrt3A : vector<1024x1xf32> to vector<1024x16xf32>
    %mul3A_12 = arith.mulf %dot_general3A_5, %mul3A : vector<1024x16xf32>
    %swap3A = arith.constant 0 : index
    %swap3A_13 = arith.constant 0 : index
    %swap3A_14 = vector.load %arg4[%swap3A, %swap3A_13] : memref<1024x16xf32, #tpu.memory_space<vmem>>, vector<1024x16xf32>
    tpu.vector_store %arg4[%swap3A, %swap3A_13], %mul3A_12 {strides = array<i32>} : memref<1024x16xf32, #tpu.memory_space<vmem>>, vector<1024x16xf32>,
    %swap3A_15 = arith.constant 0 : index
    %swap3A_16 = arith.constant 0 : index
    %swap3A_17 = vector.load %arg5[%swap3A_15, %swap3A_16] : memref<1024x1xf32, #tpu.memory_space<vmem>>, vector<1024x1xf32>
    tpu.vector_store %arg5[%swap3A_15, %swap3A_16], %rsqrt3A {strides = array<i32>} : memref<1024x1xf32, #tpu.memory_space<vmem>>, vector<1024x1xf32>,
    return
  }
  func.func @transform_0(%arg0: i32) -> (i32, i32) {
    %c0_i32 = arith.constant 0 : i32
    %c0_i32_0 = arith.constant 0 : i32
    return %arg0, %c0_i32 : i32, i32
  }
  func.func @transform_1(%arg0: i32) -> (i32, i32) {
    %c0_i32 = arith.constant 0 : i32
    %c0_i32_0 = arith.constant 0 : i32
    %c0_i32_1 = arith.constant 0 : i32
    return %c0_i32, %c0_i32_0 : i32, i32
  }
  func.func @transform_2(%arg0: i32) -> (i32, i32) {
    %c0_i32 = arith.constant 0 : i32
    %c0_i32_0 = arith.constant 0 : i32
    return %arg0, %c0_i32 : i32, i32
  }
  func.func @transform_3(%arg0: i32) -> (i32, i32) {
    %c0_i32 = arith.constant 0 : i32
    %c0_i32_0 = arith.constant 0 : i32
    return %arg0, %c0_i32 : i32, i32
  }
  func.func @transform_4(%arg0: i32) -> (i32, i32) {
    %c0_i32 = arith.constant 0 : i32
    %c0_i32_0 = arith.constant 0 : i32
    return %arg0, %c0_i32 : i32, i32
  }
}

module attributes {stable_mosaic.version = 14 : i64} {
  func.func @_tc2_body(%arg0: i32, %arg1: memref<2x1024x16xf32, #tpu.memory_space<vmem>>, %arg2: memref<1024x16xf32, #tpu.memory_space<vmem>>, %arg3: memref<1024x1xf32, #tpu.memory_space<vmem>>, %arg4: memref<1x16xf32, #tpu.memory_space<vmem>>, %arg5: memref<1024x16xf32, #tpu.memory_space<vmem>>) attributes {dimension_semantics = [#tpu.dimension_semantics<arbitrary>], iteration_bounds = array<i64: 10>, scalar_prefetch = 0 : i64, scratch_operands = 0 : i64, tpu.core_type = #tpu.core_type<tc>, window_params = [{transform_indices = @transform_0, window_bounds = array<i64: 2, 1024, 16>}, {transform_indices = @transform_1, window_bounds = array<i64: 1024, 16>}, {transform_indices = @transform_2, window_bounds = array<i64: 1024, 1>}, {pipeline_mode = #tpu.pipeline_mode<synchronous>, transform_indices = @transform_3, window_bounds = array<i64: 1, 16>}, {transform_indices = @transform_4, window_bounds = array<i64: 1024, 16>}]} {
    %get3A = arith.constant 0 : index
    %get3A_0 = arith.constant 0 : index
    %get3A_1 = arith.constant 0 : index
    %get3A_2 = vector.load %arg1[%get3A, %get3A_0, %get3A_1] : memref<2x1024x16xf32, #tpu.memory_space<vmem>>, vector<1x1024x16xf32>
    %get3A_3 = vector.shape_cast %get3A_2 : vector<1x1024x16xf32> to vector<1024x16xf32>
    %get3A_4 = arith.constant 1 : index
    %get3A_5 = arith.constant 0 : index
    %get3A_6 = arith.constant 0 : index
    %get3A_7 = vector.load %arg1[%get3A_4, %get3A_5, %get3A_6] : memref<2x1024x16xf32, #tpu.memory_space<vmem>>, vector<1x1024x16xf32>
    %get3A_8 = vector.shape_cast %get3A_7 : vector<1x1024x16xf32> to vector<1024x16xf32>
    %add3A = arith.addf %get3A_3, %get3A_8 : vector<1024x16xf32>
    %get3A_9 = arith.constant 0 : index
    %get3A_10 = arith.constant 0 : index
    %get3A_11 = vector.load %arg2[%get3A_9, %get3A_10] : memref<1024x16xf32, #tpu.memory_space<vmem>>, vector<1024x16xf32>
    %add3A_12 = arith.addf %add3A, %get3A_11 : vector<1024x16xf32>
    %get3A_13 = arith.constant 0 : index
    %get3A_14 = arith.constant 0 : index
    %get3A_15 = vector.load %arg3[%get3A_13, %get3A_14] : memref<1024x1xf32, #tpu.memory_space<vmem>>, vector<1024x1xf32>
    %mul3A = vector.broadcast %get3A_15 : vector<1024x1xf32> to vector<1024x16xf32>
    %mul3A_16 = arith.mulf %add3A_12, %mul3A : vector<1024x16xf32>
    %get3A_17 = arith.constant 0 : index
    %get3A_18 = arith.constant 0 : index
    %get3A_19 = vector.load %arg4[%get3A_17, %get3A_18] : memref<1x16xf32, #tpu.memory_space<vmem>>, vector<1x16xf32>
    %add3A_20 = vector.broadcast %get3A_19 : vector<1x16xf32> to vector<1024x16xf32>
    %add3A_21 = arith.addf %mul3A_16, %add3A_20 : vector<1024x16xf32>
    %max3A = arith.constant 0.000000e+00 : f32
    %max3A_22 = vector.broadcast %max3A : f32 to vector<1024x16xf32>
    %max3A_23 = arith.maximumf %add3A_21, %max3A_22 : vector<1024x16xf32>
    %get3A_24 = arith.constant 0 : index
    %get3A_25 = arith.constant 0 : index
    %get3A_26 = vector.load %arg3[%get3A_24, %get3A_25] : memref<1024x1xf32, #tpu.memory_space<vmem>>, vector<1024x1xf32>
    %mul3A_27 = vector.broadcast %get3A_26 : vector<1024x1xf32> to vector<1024x16xf32>
    %mul3A_28 = arith.mulf %max3A_23, %mul3A_27 : vector<1024x16xf32>
    %swap3A = arith.constant 0 : index
    %swap3A_29 = arith.constant 0 : index
    %swap3A_30 = vector.load %arg5[%swap3A, %swap3A_29] : memref<1024x16xf32, #tpu.memory_space<vmem>>, vector<1024x16xf32>
    tpu.vector_store %arg5[%swap3A, %swap3A_29], %mul3A_28 {strides = array<i32>} : memref<1024x16xf32, #tpu.memory_space<vmem>>, vector<1024x16xf32>,
    return
  }
  func.func @transform_0(%arg0: i32) -> (i32, i32, i32) {
    %c0_i32 = arith.constant 0 : i32
    %c0_i32_0 = arith.constant 0 : i32
    %c0_i32_1 = arith.constant 0 : i32
    return %c0_i32, %arg0, %c0_i32_0 : i32, i32, i32
  }
  func.func @transform_1(%arg0: i32) -> (i32, i32) {
    %c0_i32 = arith.constant 0 : i32
    %c0_i32_0 = arith.constant 0 : i32
    return %arg0, %c0_i32 : i32, i32
  }
  func.func @transform_2(%arg0: i32) -> (i32, i32) {
    %c0_i32 = arith.constant 0 : i32
    %c0_i32_0 = arith.constant 0 : i32
    return %arg0, %c0_i32 : i32, i32
  }
  func.func @transform_3(%arg0: i32) -> (i32, i32) {
    %c0_i32 = arith.constant 0 : i32
    %c0_i32_0 = arith.constant 0 : i32
    %c0_i32_1 = arith.constant 0 : i32
    return %c0_i32, %c0_i32_0 : i32, i32
  }
  func.func @transform_4(%arg0: i32) -> (i32, i32) {
    %c0_i32 = arith.constant 0 : i32
    %c0_i32_0 = arith.constant 0 : i32
    return %arg0, %c0_i32 : i32, i32
  }
}

module attributes {stable_mosaic.version = 14 : i64} {
  func.func @_tc3_body(%arg0: i32, %arg1: memref<2x1024x16xf32, #tpu.memory_space<vmem>>, %arg2: memref<1024x16xf32, #tpu.memory_space<vmem>>, %arg3: memref<1024x1xf32, #tpu.memory_space<vmem>>, %arg4: memref<16x40xf32, #tpu.memory_space<vmem>>, %arg5: memref<1x40xf32, #tpu.memory_space<vmem>>, %arg6: memref<1024x40xf32, #tpu.memory_space<vmem>>) attributes {dimension_semantics = [#tpu.dimension_semantics<arbitrary>], iteration_bounds = array<i64: 10>, scalar_prefetch = 0 : i64, scratch_operands = 0 : i64, tpu.core_type = #tpu.core_type<tc>, window_params = [{transform_indices = @transform_0, window_bounds = array<i64: 2, 1024, 16>}, {transform_indices = @transform_1, window_bounds = array<i64: 1024, 16>}, {transform_indices = @transform_2, window_bounds = array<i64: 1024, 1>}, {pipeline_mode = #tpu.pipeline_mode<synchronous>, transform_indices = @transform_3, window_bounds = array<i64: 16, 40>}, {pipeline_mode = #tpu.pipeline_mode<synchronous>, transform_indices = @transform_4, window_bounds = array<i64: 1, 40>}, {transform_indices = @transform_5, window_bounds = array<i64: 1024, 40>}]} {
    %get3A = arith.constant 0 : index
    %get3A_0 = arith.constant 0 : index
    %get3A_1 = arith.constant 0 : index
    %get3A_2 = vector.load %arg1[%get3A, %get3A_0, %get3A_1] : memref<2x1024x16xf32, #tpu.memory_space<vmem>>, vector<1x1024x16xf32>
    %get3A_3 = vector.shape_cast %get3A_2 : vector<1x1024x16xf32> to vector<1024x16xf32>
    %get3A_4 = arith.constant 1 : index
    %get3A_5 = arith.constant 0 : index
    %get3A_6 = arith.constant 0 : index
    %get3A_7 = vector.load %arg1[%get3A_4, %get3A_5, %get3A_6] : memref<2x1024x16xf32, #tpu.memory_space<vmem>>, vector<1x1024x16xf32>
    %get3A_8 = vector.shape_cast %get3A_7 : vector<1x1024x16xf32> to vector<1024x16xf32>
    %add3A = arith.addf %get3A_3, %get3A_8 : vector<1024x16xf32>
    %get3A_9 = arith.constant 0 : index
    %get3A_10 = arith.constant 0 : index
    %get3A_11 = vector.load %arg2[%get3A_9, %get3A_10] : memref<1024x16xf32, #tpu.memory_space<vmem>>, vector<1024x16xf32>
    %add3A_12 = arith.addf %add3A, %get3A_11 : vector<1024x16xf32>
    %get3A_13 = arith.constant 0 : index
    %get3A_14 = arith.constant 0 : index
    %get3A_15 = vector.load %arg3[%get3A_13, %get3A_14] : memref<1024x1xf32, #tpu.memory_space<vmem>>, vector<1024x1xf32>
    %mul3A = vector.broadcast %get3A_15 : vector<1024x1xf32> to vector<1024x16xf32>
    %mul3A_16 = arith.mulf %add3A_12, %mul3A : vector<1024x16xf32>
    %get3A_17 = arith.constant 0 : index
    %get3A_18 = arith.constant 0 : index
    %get3A_19 = vector.load %arg4[%get3A_17, %get3A_18] : memref<16x40xf32, #tpu.memory_space<vmem>>, vector<16x40xf32>
    %dot_general3A = arith.constant dense<0.000000e+00> : vector<1024x40xf32>
    %dot_general3A_20 = tpu.matmul %mul3A_16, %get3A_19, %dot_general3A {dimension_numbers = #tpu.dot_dimension_numbers<[1], [0], [0], [1], [0, 0, 1, 1], [], []>, transpose_lhs_hint = false} : vector<1024x16xf32>, vector<16x40xf32>, vector<1024x40xf32> -> vector<1024x40xf32>
    %get3A_21 = arith.constant 0 : index
    %get3A_22 = arith.constant 0 : index
    %get3A_23 = vector.load %arg5[%get3A_21, %get3A_22] : memref<1x40xf32, #tpu.memory_space<vmem>>, vector<1x40xf32>
    %add3A_24 = vector.broadcast %get3A_23 : vector<1x40xf32> to vector<1024x40xf32>
    %add3A_25 = arith.addf %dot_general3A_20, %add3A_24 : vector<1024x40xf32>
    %reduce_max3A = arith.constant dense<0xFF800000> : vector<1024xf32>
    %reduce_max3A_26 = vector.multi_reduction <maximumf>, %add3A_25, %reduce_max3A [1] : vector<1024x40xf32> to vector<1024xf32>
    %broadcast_in_dim3A = vector.shape_cast %reduce_max3A_26 : vector<1024xf32> to vector<1024x1xf32>
    %sub3A = vector.broadcast %broadcast_in_dim3A : vector<1024x1xf32> to vector<1024x40xf32>
    %sub3A_27 = arith.subf %add3A_25, %sub3A : vector<1024x40xf32>
    %exp3A = math.exp %sub3A_27 : vector<1024x40xf32>
    %reduce_sum3A = arith.constant dense<0.000000e+00> : vector<1024xf32>
    %reduce_sum3A_28 = vector.multi_reduction <add>, %exp3A, %reduce_sum3A [1] : vector<1024x40xf32> to vector<1024xf32>
    %broadcast_in_dim3A_29 = vector.shape_cast %reduce_sum3A_28 : vector<1024xf32> to vector<1024x1xf32>
    %log3A = math.log %broadcast_in_dim3A_29 : vector<1024x1xf32>
    %sub3A_30 = vector.broadcast %broadcast_in_dim3A : vector<1024x1xf32> to vector<1024x40xf32>
    %sub3A_31 = arith.subf %add3A_25, %sub3A_30 : vector<1024x40xf32>
    %sub3A_32 = vector.broadcast %log3A : vector<1024x1xf32> to vector<1024x40xf32>
    %sub3A_33 = arith.subf %sub3A_31, %sub3A_32 : vector<1024x40xf32>
    %swap3A = arith.constant 0 : index
    %swap3A_34 = arith.constant 0 : index
    %swap3A_35 = vector.load %arg6[%swap3A, %swap3A_34] : memref<1024x40xf32, #tpu.memory_space<vmem>>, vector<1024x40xf32>
    tpu.vector_store %arg6[%swap3A, %swap3A_34], %sub3A_33 {strides = array<i32>} : memref<1024x40xf32, #tpu.memory_space<vmem>>, vector<1024x40xf32>,
    return
  }
  func.func @transform_0(%arg0: i32) -> (i32, i32, i32) {
    %c0_i32 = arith.constant 0 : i32
    %c0_i32_0 = arith.constant 0 : i32
    %c0_i32_1 = arith.constant 0 : i32
    return %c0_i32, %arg0, %c0_i32_0 : i32, i32, i32
  }
  func.func @transform_1(%arg0: i32) -> (i32, i32) {
    %c0_i32 = arith.constant 0 : i32
    %c0_i32_0 = arith.constant 0 : i32
    return %arg0, %c0_i32 : i32, i32
  }
  func.func @transform_2(%arg0: i32) -> (i32, i32) {
    %c0_i32 = arith.constant 0 : i32
    %c0_i32_0 = arith.constant 0 : i32
    return %arg0, %c0_i32 : i32, i32
  }
  func.func @transform_3(%arg0: i32) -> (i32, i32) {
    %c0_i32 = arith.constant 0 : i32
    %c0_i32_0 = arith.constant 0 : i32
    %c0_i32_1 = arith.constant 0 : i32
    return %c0_i32, %c0_i32_0 : i32, i32
  }
  func.func @transform_4(%arg0: i32) -> (i32, i32) {
    %c0_i32 = arith.constant 0 : i32
    %c0_i32_0 = arith.constant 0 : i32
    %c0_i32_1 = arith.constant 0 : i32
    return %c0_i32, %c0_i32_0 : i32, i32
  }
  func.func @transform_5(%arg0: i32) -> (i32, i32) {
    %c0_i32 = arith.constant 0 : i32
    %c0_i32_0 = arith.constant 0 : i32
    return %arg0, %c0_i32 : i32, i32
  }
}

</mosaic_0001>

<sc_bundles>
// kernel: kernel.11.cloned.1.call-start
scs
__scs_entry_jumppad:
0x0: {  	(pc) =	sbr.rel $0x88, $3  }
0x1: {  	(tag) =	ssettag $0x0;
	lr =	simm.s32 $0x1  }
0x2: {  	[smem:$0x3F9B] =	sst lr;
	_ =	strace $0xD0000000  }
0x3: {  	_ = 	snop  }
0x4: {  	_ = 	snop  }
0x5: {  	_ = 	snop  }
0x6: {  	_ = 	snop  }
0x7: {  	_ = 	snop  }
__scs_overlays_trampoline_lowered:
0x8: {  	[smem:$0x3FAA] =	sst s0  }
0x9: {  	[smem:$0x3FAB] =	sst s1  }
0xa: {  	[smem:$0x3FAC] =	sst s2  }
0xb: {  	[smem:$0x3FAD] =	sst s3  }
0xc: {  	[smem:$0x3FAE] =	sst s4  }
0xd: {  	[smem:$0x3FAF] =	sst s5  }
0xe: {  	[smem:$0x3FB0] =	sst s6  }
0xf: {  	[smem:$0x3FB1] =	sst s7  }
0x10: {  	[smem:$0x3FB2] =	sst s8  }
0x11: {  	[smem:$0x3FB3] =	sst s9;
	s0 =	simm.s32 @!p0 $0x0  }
0x12: {  	s1 =	sld [smem:$0x3F99];
	s0 =	simm.s32 @p0 $0x1  }
0x13: {  	[smem:$0x3FB4] =	sst s0;
	s0 =	simm.s32 @!p1 $0x0  }
0x14: {  	s2 =	sld [smem:$0x3F98];
	s0 =	simm.s32 @p1 $0x1  }
0x15: {  	[smem:$0x3FB5] =	sst s0;
	s0 =	simm.s32 @!p2 $0x0  }
0x16: {  	s3 =	sld [smem:$0x3FDB];
	s0 =	simm.s32 @p2 $0x1  }
0x17: {  	s4 =	simm.s32 $0x1BF5;
	[smem:$0x3FB7] =	sst s0  }
0x18: {  	s0 =	sld [smem:$0x3F9A];
	_ =	swait.ge [sflag:s4], $0x0  }
0x19: {  	s7 =	sld [smem:$0x3F9B]  }
0x1a: {  	s8 =	sadd.s32 $0xFFFFE003, lr  }
0x1b: {  	s9 =	sadd.s32 $0xFFFFFEF7, lr;
	s5 =	simm.s32 $0xFFFFFFFF;
	p2 =	slt.u32 s8, $0xFFFFF086  }
0x1c: {  	p1 =	slt.u32 s9, $0xF7A;
	s5 =	simm.s32 @!p2 $0x0  }
0x1d: {  	s5 =	simm.s32 @p1 $0x1;
	p0 =	seq.s32 s7, s2  }
0x1e: {  	s7 =	smul.u32 @!p0 $0xF7A, s2;
	p2 =	seq.s32 @!p0 s5, $0x0  }
0x1f: {  	s9 =	smul.u32 $0xF7A, s1;
	s8 =	simm.s32 @!p0 $0x1BF5;
	p2 =	por !p2, p0  }
0x20: {  	[sflag:s8] =	ssyncset.s32 @!p0 $0xFFFFF086;
	s6 =	sadd.s32 @!p0 s3, s7;
	s7 =	simm.s32 @!p0 $0x108  }
0x21: {  	s3 =	sadd.s32 s3, s9;
	s6 =	sadd.s32 @!p0 $0x88, s6;
	s7 =	simm.s32 @p2 $0x1082  }
0x22: {  	[simem:s7], [sflag:s8] =	dma.local @!p0 [hbm:s6], $0xF7A  }
0x23: {  	s9 =	sor.u32 $0xD0000000, s2;
	s6 =	simm.s32 $0x108;
	_ =	swait.ge @!p0 [sflag:s8], $0x0  }
0x24: {  	s3 =	sadd.s32 $0x88, s3;
	s6 =	simm.s32 @!p1 $0x1082;
	[sflag:s4] =	ssyncset.s32 $0xFFFFF086  }
0x25: {  	[simem:s6], [sflag:s4] =	dma.local [hbm:s3], $0xF7A  }
0x26: {  	[smem:$0x3F9B] =	sst s1;
	(tag) =	ssettag s2;
	_ =	strace s9  }
0x27: {  	s1 =	sld [smem:$0x3FAB]  }
0x28: {  	s2 =	sld [smem:$0x3FAC]  }
0x29: {  	s4 =	sld [smem:$0x3FAE]  }
0x2a: {  	p0 =	seq.s32 s5, $0x0;
	s5 =	sld [smem:$0x3FAF]  }
0x2b: {  	s6 =	sld [smem:$0x3FB0]  }
0x2c: {  	s7 =	sld [smem:$0x3FB1]  }
0x2d: {  	s3 =	simm.s32 $0x108;
	s8 =	sld [smem:$0x3FB2]  }
0x2e: {  	s3 =	simm.s32 @!p0 $0x1082;
	s9 =	sld [smem:$0x3FB3]  }
0x2f: {  	lr =	sadd.s32 s0, s3;
	s0 =	sld [smem:$0x3FAA]  }
0x30: {  	s3 =	sld [smem:$0x3FAD]  }
0x31: {  	[smem:$0x3FB6] =	sst s10  }
0x32: {  	s10 =	sld [smem:$0x3FB4];
	_ =	sdelay $0x3  }
0x33: {  	p0 =	seq.s32 s10, $0x1;
	s10 =	sld [smem:$0x3FB6];
	_ =	sdelay $0x3  }
0x34: {  	[smem:$0x3FB6] =	sst s10  }
0x35: {  	s10 =	sld [smem:$0x3FB5];
	_ =	sdelay $0x3  }
0x36: {  	p1 =	seq.s32 s10, $0x1;
	s10 =	sld [smem:$0x3FB6];
	_ =	sdelay $0x3  }
0x37: {  	[smem:$0x3FB6] =	sst s10  }
0x38: {  	s10 =	sld [smem:$0x3FB7]  }
0x39: {  	_ = 	snop;
	(pc) =	sbr.ind lr, $3  }
0x3a: {  	_ = 	snop  }
0x3b: {  	_ = 	snop  }
0x3c: {  	p2 =	seq.s32 s10, $0x1;
	s10 =	sld [smem:$0x3FB6]  }
0x3d: {  	_ =	shalt  }
0x3e: {  	_ =	shalt  }
0x3f: {  	_ =	shalt  }
0x40: {  	_ =	shalt  }
0x41: {  	_ =	shalt  }
0x42: {  	_ =	shalt  }
0x43: {  	_ =	shalt  }
0x44: {  	_ =	shalt  }
0x45: {  	_ =	shalt  }
0x46: {  	_ =	shalt  }
0x47: {  	_ =	shalt  }
0x48: {  	_ =	shalt  }
0x49: {  	_ =	shalt  }
0x4a: {  	_ =	shalt  }
0x4b: {  	_ =	shalt  }
0x4c: {  	_ =	shalt  }
0x4d: {  	_ =	shalt  }
0x4e: {  	_ =	shalt  }
0x4f: {  	_ =	shalt  }
0x50: {  	_ =	shalt  }
0x51: {  	_ =	shalt  }
0x52: {  	_ =	shalt  }
0x53: {  	_ =	shalt  }
0x54: {  	_ =	shalt  }
0x55: {  	_ =	shalt  }
0x56: {  	_ =	shalt  }
0x57: {  	_ =	shalt  }
0x58: {  	_ =	shalt  }
0x59: {  	_ =	shalt  }
0x5a: {  	_ =	shalt  }
0x5b: {  	_ =	shalt  }
0x5c: {  	_ =	shalt  }
0x5d: {  	_ =	shalt  }
0x5e: {  	_ =	shalt  }
0x5f: {  	_ =	shalt  }
0x60: {  	_ =	shalt  }
0x61: {  	_ =	shalt  }
0x62: {  	_ =	shalt  }
0x63: {  	_ =	shalt  }
0x64: {  	_ =	shalt  }
0x65: {  	_ =	shalt  }
0x66: {  	_ =	shalt  }
0x67: {  	_ =	shalt  }
0x68: {  	_ =	shalt  }
0x69: {  	_ =	shalt  }
0x6a: {  	_ =	shalt  }
0x6b: {  	_ =	shalt  }
0x6c: {  	_ =	shalt  }
0x6d: {  	_ =	shalt  }
0x6e: {  	_ =	shalt  }
0x6f: {  	_ =	shalt  }
0x70: {  	_ =	shalt  }
0x71: {  	_ =	shalt  }
0x72: {  	_ =	shalt  }
0x73: {  	_ =	shalt  }
0x74: {  	_ =	shalt  }
0x75: {  	_ =	shalt  }
0x76: {  	_ =	shalt  }
0x77: {  	_ =	shalt  }
0x78: {  	_ =	shalt  }
0x79: {  	_ =	shalt  }
0x7a: {  	_ =	shalt  }
0x7b: {  	_ =	shalt  }
0x7c: {  	_ =	shalt  }
0x7d: {  	_ =	shalt  }
0x7e: {  	_ =	shalt  }
0x7f: {  	_ =	shalt  }
0x80: {  	_ =	shalt  }
0x81: {  	_ =	shalt  }
0x82: {  	_ =	shalt  }
0x83: {  	_ =	shalt  }
0x84: {  	_ =	shalt  }
0x85: {  	_ =	shalt  }
0x86: {  	_ =	shalt  }
0x87: {  	_ =	shalt  }
.Lfunc_end0:
.L_simem_size_0:
called_computation.1_lowered:
.L_overlay_start_0:
0x88: {  	s2 =	sld [smem:$0x3FD9]  }
0x89: {  	s3 =	sld [smem:$0x3FFE];
	_ =	sdelay $0x1  }
0x8a: {  	s1 =	srdreg.scid  }
0x8b: {  	s0 =	sand.u32 $0x1, s1  }
0x8c: {  	s17 =	sshll.u32 s0, $0xA;
	s2 =	sadd.s32 s3, s2  }
0x8d: {  	s2 =	sadd.s32 s2, s17  }
0x8e: {  	[smem:$0x3FC2] =	sst s2  }
0x8f: {  	_ = 	snop  }
0x90: {  	s2 =	sld [smem:$0x3FD0];
	(tm) =	ssettm $0x1  }
0x91: {  	s18 =	sld [smem:$0x3FFB];
	_ =	sdelay $0x3  }
0x92: {  	_ =	strace s18  }
0x93: {  	s3 =	sld [smem:$0x3FFC];
	_ =	sdelay $0x3  }
0x94: {  	_ =	strace s3  }
0x95: {  	s3 =	sld [smem:$0x3FFD];
	_ =	sdelay $0x3  }
0x96: {  	_ =	strace s3  }
0x97: {  	_ =	strace $0x8FFFFFFF  }
0x98: {  	s19 =	sld [smem:$0x3FDB];
	_ =	sdelay $0x1  }
0x99: {  	s4 =	simm.s32 $_scs_section_size  }
0x9a: {  	s5 =	simm.s32 $_size__tile_overlayer_lowered;
	s6 =	simm.s32 $_tile_overlayer_lowered  }
0x9b: {  	s22 =	simm.s32 $0x1BFF;
	s21 =	sshll.u32 s6, $0x1;
	s3 =	sadd.s32 s4, s19  }
0x9c: {  	s7 =	simm.s32 $0x0;
	s20 =	sshll.u32 s5, $0x1;
	s5 =	sadd.s32 s21, s3  }
0x9d: {  	[timem:s7], [sflag:s22] =	dma.local [hbm:s5], s20  }
0x9e: {  	_ =	swait.ge [sflag:s22], s20  }
0x9f: {  	s4 =	ssub.s32 $0x0, s20;
	[sflag:s22] =	ssyncset.done $0x0  }
0xa0: {  	[sflag:s22] =	ssyncadd.s32 s4;
	_ =	sdelay $0x1  }
0xa1: {  	s23 =	simm.s32 $0x1B8B  }
0xa2: {  	_ =	swait.ge [sflag:s23], $0x1  }
0xa3: {  	[sflag:s23] =	ssyncset.done $0x0  }
0xa4: {  	s25 =	simm.s32 $0x1B8E;
	s24 =	sld [smem:$0x3FFE];
	[sflag:s23] =	ssyncadd.s32 $0xFFFFFFFF  }
0xa5: {  	s26 =	simm.s32 $execute0_lowered;
	[smem:$0x3FD2] =	sst s25  }
0xa6: {  	s5 =	sshll.u32 s26, $0x1;
	_ =	strace $0x80000049;
	[dreg:$0x1] =	wrdreg $0xFFFFFFFF  }
0xa7: {  	s28 =	simm.s32 $_size_execute0_lowered;
	s3 =	sadd.s32 s3, s5;
	[dreg:$0x0] =	wrdreg $0x0  }
0xa8: {  	s5 =	sshll.u32 s28, $0x1;
	[dreg:$0x2] =	wrdreg s3  }
0xa9: {  	[dreg:$0x3] =	wrdreg s5  }
0xaa: {  	[dreg:$0x4] =	wrdreg $0xC0  }
0xab: {  	_ =	task [dreg:s7], $0x5FFFF  }
0xac: {  	[dreg:$0x1] =	wrdreg $0xFFFFFFFF  }
0xad: {  	[dreg:$0x0] =	wrdreg $0x60  }
0xae: {  	[dreg:$0x2] =	wrdreg s24  }
0xaf: {  	[dreg:$0x3] =	wrdreg s2  }
0xb0: {  	[dreg:$0x4] =	wrdreg $0x70000  }
0xb1: {  	[dreg:$0x5] =	wrdreg $0x9  }
0xb2: {  	_ =	task.clear_ibuf [dreg:s7], $0x6FFFF;
	_ =	strace $0x90000049  }
0xb3: {  	s29 =	simm.s32 $0x9;
	_ =	strace $0x8000004B  }
0xb4: {  	_ =	swait.ge [sflag:s29], $0x1  }
0xb5: {  	[sflag:s29] =	ssyncadd.s32 $0xFFFFFFFF  }
0xb6: {  	_ =	strace $0x9000004B  }
0xb7: {  	_ =	sfence  }
0xb8: {  	s30 =	sld [smem:$0x0];
	_ =	sdelay $0x2  }
0xb9: {  	s31 =	sshll.u32 s1, $0xD;
	s1 =	sshrl.u32 s1, $0x2  }
0xba: {  	s3 =	sand.u32 $0x4000, s31;
	s1 =	sadd.s32 s1, s30  }
0xbb: {  	s0 =	sor.u32 s3, s0;
	s1 =	sshll.u32 s1, $0x11  }
0xbc: {  	s0 =	sor.u32 s1, s0  }
0xbd: {  	s0 =	sadd.s32 $0x8F2B, s0  }
0xbe: {  	[sflag:s0] =	ssyncadd.remote.s32 $0x1  }
0xbf: {  	_ =	sfence.sel $0xFFFF  }
0xc0: {  	[dreg:$0x0] =	wrdreg $0xFFFFFFFF;
	(pc) =	sbr.abs _section_cstart, $3  }
0xc1: {  	[dreg:$0x1] =	wrdreg $0xFFFFFFFF  }
0xc2: {  	_ =	task.clear_ibuf [dreg:s7], $0x2FFFF;
	_ =	strace $0x9FFFFFFF  }
0xc3: {  	(tm) =	ssettm $0x7FFFFFFF  }
tec
execute0_lowered:
.L_overlay_start_1:
0x0: {  	(tag) =	ssettag $0x1  }
0x1: {  	s6 =	rddreg [dreg:$0x0]  }
0x2: {  	s8 =	rddreg [dreg:$0x1]  }
0x3: {  	s0 =	srdreg.scid;
	s2 =	rddreg [dreg:$0x2]  }
0x4: {  	s3 =	simm.s32 $0x0;
	s15 =	simm.s32 $0x5000;
	s16 =	simm.s32 $0x5800  }
0x5: {  	s17 =	simm.s32 $0x6000;
	s18 =	simm.s32 $0x6800;
	s19 =	simm.s32 $0x1  }
0x6: {  	s20 =	simm.s32 $0x0;
	s5 =	sand.u32 $0x1, s0;
	s0 =	stileid.u32  }
0x7: {  	[smem:$0x7FF] =	sst s3;
	s4 =	sadd.s32 $0xC800, s6;
	s7 =	smul.u32 $0x2800, s0  }
0x8: {  	s1 =	sshll.u32 s5, $0x4;
	s10 =	smul.u32 $0x28000, s5;
	s5 =	ssub.s32 $0x2, s5  }
0x9: {  	s31 =	sshll.u32 s0, $0x6;
	s1 =	sor.u32 s0, s1;
	s13 =	sshrl.u32 s5, $0x1  }
0xa: {  	s9 =	smul.u32 $0x500, s1;
	s1 =	rddreg [dreg:$0x3];
	_ =	strace $0x8000004A  }
0xb: {  	s10 =	sadd.s32 s7, s10;
	s12 =	sshrl.u32 s7, $0x3;
	s13 =	ssub.s32 s5, s13  }
0xc: {  	s14 =	sadd.s32 s7, s2;
	s10 =	sshrl.u32 s10, $0x3;
	s12 =	sadd.s32 s12, s6  }
0xd: {  	s11 =	sadd.s32 s9, s6;
	s10 =	sadd.s32 s10, s6;
	s5 =	sadd.s32 $0x11800, s12  }
0xe: {  	s6 =	sor.u32 $0x1C02, s31;
	s8 =	sadd.s32 s8, s9;
	s12 =	simm.s32 $0x2  }
0xf: {  	s7 =	sadd.s32 $0x2800, s11;
	s9 =	sadd.s32 $0x16800, s10;
	s10 =	smax.u32 s13, $0x1  }
0x10: {  	s11 =	sshrl.u32 s14, $0x3;
	s13 =	simm.s32 $0x2800;
	s14 =	simm.s32 $0x80  }
.LBB2_1:
0x11: {  	[spmem:s11], [sflag:s6] =	dma.local [hbm:s5], $0x500  }
0x12: {  	_ =	swait.ge [sflag:s12], $0x500  }
0x13: {  	[sflag:s12] =	ssyncset.done $0x0  }
0x14: {  	[sflag:s12] =	ssyncadd.s32 $0xFFFFFB00  }
0x15: {  	[tilespmem:s3], [sflag:$0x2] =	stream.linear.gather [hbm4b:s7+s3], $0x2800, $0x38;
	[tilespmem:$0x9800] =	vst v63  }
0x16: {  	_ =	swait.ge [sflag:s12], $0x2800  }
0x17: {  	[sflag:s12] =	ssyncset.done $0x0  }
0x18: {  	[sflag:s12] =	ssyncadd.s32 $0xFFFFD800  }
0x19: {  	[tilespmem:s13], [sflag:$0x2] =	stream.linear.gather [hbm4b:s8+s3], $0x2800, $0x38;
	[tilespmem:$0x9800] =	vst v63  }
0x1a: {  	_ =	swait.ge [sflag:s12], $0x2800  }
0x1b: {  	[sflag:s12] =	ssyncset.done $0x0  }
0x1c: {  	[sflag:s12] =	ssyncadd.s32 $0xFFFFD800  }
0x1d: {  	s21 =	simm.s32 $0x0;
	[bflag:$0x0] =	sbarrier.arrive $0xFFFF  }
0x1e: {  	[tilespmem:s15], [sflag:$0x1] =	stream.indirect.gather [hbm4b:s4+s14], $0x10, s21, s14, $0xb8;
	[tilespmem:$0x9800] =	vst v63  }
0x1f: {  	s24 =	simm.s32 $0x80  }
0x20: {  	[tilespmem:s16], [sflag:$0x1] =	stream.indirect.gather [hbm4b:s4+s14], $0x10, s24, s14, $0xb8;
	[tilespmem:$0x9800] =	vst v63  }
0x21: {  	s25 =	simm.s32 $0x100  }
0x22: {  	[tilespmem:s17], [sflag:$0x1] =	stream.indirect.gather [hbm4b:s4+s14], $0x10, s25, s14, $0xb8;
	[tilespmem:$0x9800] =	vst v63  }
0x23: {  	s26 =	simm.s32 $0x180  }
0x24: {  	[tilespmem:s18], [sflag:$0x1] =	stream.indirect.gather [hbm4b:s4+s14], $0x10, s26, s14, $0xb8;
	[tilespmem:$0x9800] =	vst v63  }
0x25: {  	_ =	swait.ge [sflag:s19], $0x800  }
0x26: {  	[sflag:s19] =	ssyncset.done $0x0  }
0x27: {  	[sflag:s19] =	ssyncadd.s32 $0xFFFFF800  }
0x28: {  	_ =	swait.ge [sflag:s19], $0x800  }
0x29: {  	[sflag:s19] =	ssyncset.done $0x0  }
0x2a: {  	[sflag:s19] =	ssyncadd.s32 $0xFFFFF800  }
0x2b: {  	_ =	swait.ge [sflag:s19], $0x800  }
0x2c: {  	[sflag:s19] =	ssyncset.done $0x0  }
0x2d: {  	[sflag:s19] =	ssyncadd.s32 $0xFFFFF800  }
0x2e: {  	_ =	swait.ge [sflag:s19], $0x800  }
0x2f: {  	[sflag:s19] =	ssyncset.done $0x0  }
0x30: {  	s28 =	simm.s32 $0x2800;
	[sflag:s19] =	ssyncadd.s32 $0xFFFFF800  }
0x31: {  	[spmem:s2] =	stream.indirect.scatter.add.f32 [tilespmem:s15], [sflag:$0x2], $0x10, s28, s14, $0xb8;
	[tilespmem:$0x9800] =	vst v63  }
0x32: {  	_ =	swait.ge [sflag:s12], $0x800  }
0x33: {  	[sflag:s12] =	ssyncset.done $0x0  }
0x34: {  	s29 =	simm.s32 $0x2880;
	[sflag:s12] =	ssyncadd.s32 $0xFFFFF800  }
0x35: {  	[spmem:s2] =	stream.indirect.scatter.add.f32 [tilespmem:s16], [sflag:$0x2], $0x10, s29, s14, $0xb8;
	[tilespmem:$0x9800] =	vst v63  }
0x36: {  	_ =	swait.ge [sflag:s12], $0x800  }
0x37: {  	[sflag:s12] =	ssyncset.done $0x0  }
0x38: {  	s30 =	simm.s32 $0x2900;
	[sflag:s12] =	ssyncadd.s32 $0xFFFFF800  }
0x39: {  	[spmem:s2] =	stream.indirect.scatter.add.f32 [tilespmem:s17], [sflag:$0x2], $0x10, s30, s14, $0xb8;
	[tilespmem:$0x9800] =	vst v63  }
0x3a: {  	_ =	swait.ge [sflag:s12], $0x800  }
0x3b: {  	[sflag:s12] =	ssyncset.done $0x0  }
0x3c: {  	s31 =	simm.s32 $0x2980;
	[sflag:s12] =	ssyncadd.s32 $0xFFFFF800  }
0x3d: {  	[spmem:s2] =	stream.indirect.scatter.add.f32 [tilespmem:s18], [sflag:$0x2], $0x10, s31, s14, $0xb8;
	[tilespmem:$0x9800] =	vst v63  }
0x3e: {  	_ =	swait.ge [sflag:s12], $0x800  }
0x3f: {  	s21 =	simm.s32 $0x800;
	s24 =	simm.s32 $0x1000;
	[sflag:s12] =	ssyncset.done $0x0  }
.LBB2_2:
0x40: {  	s23 =	sshra.s32 s21, $0x2  }
0x41: {  	[sflag:s12] =	ssyncadd.s32 $0xFFFFF800;
	s21 =	smov.u32 s24;
	s22 =	sadd.s32 $0x800, s24  }
0x42: {  	[tilespmem:s15], [sflag:$0x1] =	stream.indirect.gather [hbm4b:s4+s14], $0x10, s23, s14, $0xb8;
	[tilespmem:$0x9800] =	vst v63  }
0x43: {  	p0 =	sne.s32 s24, $0x9800;
	s24 =	sadd.s32 $0x80, s23  }
0x44: {  	[tilespmem:s16], [sflag:$0x1] =	stream.indirect.gather [hbm4b:s4+s14], $0x10, s24, s14, $0xb8;
	[tilespmem:$0x9800] =	vst v63  }
0x45: {  	s24 =	sadd.s32 $0x100, s23  }
0x46: {  	[tilespmem:s17], [sflag:$0x1] =	stream.indirect.gather [hbm4b:s4+s14], $0x10, s24, s14, $0xb8;
	[tilespmem:$0x9800] =	vst v63  }
0x47: {  	s24 =	sadd.s32 $0x180, s23  }
0x48: {  	[tilespmem:s18], [sflag:$0x1] =	stream.indirect.gather [hbm4b:s4+s14], $0x10, s24, s14, $0xb8;
	[tilespmem:$0x9800] =	vst v63  }
0x49: {  	_ =	swait.ge [sflag:s19], $0x800  }
0x4a: {  	[sflag:s19] =	ssyncset.done $0x0  }
0x4b: {  	[sflag:s19] =	ssyncadd.s32 $0xFFFFF800  }
0x4c: {  	_ =	swait.ge [sflag:s19], $0x800  }
0x4d: {  	[sflag:s19] =	ssyncset.done $0x0  }
0x4e: {  	[sflag:s19] =	ssyncadd.s32 $0xFFFFF800  }
0x4f: {  	_ =	swait.ge [sflag:s19], $0x800  }
0x50: {  	[sflag:s19] =	ssyncset.done $0x0  }
0x51: {  	[sflag:s19] =	ssyncadd.s32 $0xFFFFF800  }
0x52: {  	_ =	swait.ge [sflag:s19], $0x800  }
0x53: {  	[sflag:s19] =	ssyncset.done $0x0  }
0x54: {  	s24 =	sadd.s32 $0x2800, s23;
	[sflag:s19] =	ssyncadd.s32 $0xFFFFF800  }
0x55: {  	[spmem:s2] =	stream.indirect.scatter.add.f32 [tilespmem:s15], [sflag:$0x2], $0x10, s24, s14, $0xb8;
	[tilespmem:$0x9800] =	vst v63  }
0x56: {  	_ =	swait.ge [sflag:s12], $0x800  }
0x57: {  	[sflag:s12] =	ssyncset.done $0x0  }
0x58: {  	s24 =	sadd.s32 $0x2880, s23;
	[sflag:s12] =	ssyncadd.s32 $0xFFFFF800  }
0x59: {  	[spmem:s2] =	stream.indirect.scatter.add.f32 [tilespmem:s16], [sflag:$0x2], $0x10, s24, s14, $0xb8;
	[tilespmem:$0x9800] =	vst v63  }
0x5a: {  	_ =	swait.ge [sflag:s12], $0x800  }
0x5b: {  	[sflag:s12] =	ssyncset.done $0x0  }
0x5c: {  	s24 =	sadd.s32 $0x2900, s23;
	[sflag:s12] =	ssyncadd.s32 $0xFFFFF800  }
0x5d: {  	[spmem:s2] =	stream.indirect.scatter.add.f32 [tilespmem:s17], [sflag:$0x2], $0x10, s24, s14, $0xb8;
	[tilespmem:$0x9800] =	vst v63  }
0x5e: {  	_ =	swait.ge [sflag:s12], $0x800  }
.Ltmp0:
0x5f: {  	[sflag:s12] =	ssyncset.done $0x0;
	(pc) =	sbr.rel @p0 .LBB2_2-.Ltmp0, $4  }
0x60: {  	s23 =	sadd.s32 $0x2980, s23;
	[sflag:s12] =	ssyncadd.s32 $0xFFFFF800  }
0x61: {  	[spmem:s2] =	stream.indirect.scatter.add.f32 [tilespmem:s18], [sflag:$0x2], $0x10, s23, s14, $0xb8;
	[tilespmem:$0x9800] =	vst v63  }
0x62: {  	_ =	swait.ge [sflag:s12], $0x800  }
0x63: {  	s24 =	smov.u32 s22;
	[sflag:s12] =	ssyncset.done $0x0  }
0x64: {  	s21 =	sshra.s32 s21, $0x2;
	[sflag:s12] =	ssyncadd.s32 $0xFFFFF800  }
0x65: {  	[tilespmem:s15], [sflag:$0x1] =	stream.indirect.gather [hbm4b:s4+s14], $0x10, s21, s14, $0xb8;
	[tilespmem:$0x9800] =	vst v63  }
0x66: {  	s22 =	sadd.s32 $0x80, s21  }
0x67: {  	[tilespmem:s16], [sflag:$0x1] =	stream.indirect.gather [hbm4b:s4+s14], $0x10, s22, s14, $0xb8;
	[tilespmem:$0x9800] =	vst v63  }
0x68: {  	s26 =	sadd.s32 $0x100, s21  }
0x69: {  	[tilespmem:s17], [sflag:$0x1] =	stream.indirect.gather [hbm4b:s4+s14], $0x10, s26, s14, $0xb8;
	[tilespmem:$0x9800] =	vst v63  }
0x6a: {  	s28 =	sadd.s32 $0x180, s21  }
0x6b: {  	[tilespmem:s18], [sflag:$0x1] =	stream.indirect.gather [hbm4b:s4+s14], $0x10, s28, s14, $0xb8;
	[tilespmem:$0x9800] =	vst v63  }
0x6c: {  	_ =	swait.ge [sflag:s19], $0x800  }
0x6d: {  	[sflag:s19] =	ssyncset.done $0x0  }
0x6e: {  	[sflag:s19] =	ssyncadd.s32 $0xFFFFF800  }
0x6f: {  	_ =	swait.ge [sflag:s19], $0x800  }
0x70: {  	[sflag:s19] =	ssyncset.done $0x0  }
0x71: {  	[sflag:s19] =	ssyncadd.s32 $0xFFFFF800  }
0x72: {  	_ =	swait.ge [sflag:s19], $0x800  }
0x73: {  	[sflag:s19] =	ssyncset.done $0x0  }
0x74: {  	[sflag:s19] =	ssyncadd.s32 $0xFFFFF800  }
0x75: {  	_ =	swait.ge [sflag:s19], $0x800  }
0x76: {  	[sflag:s19] =	ssyncset.done $0x0  }
0x77: {  	s29 =	sadd.s32 $0x2800, s21;
	[sflag:s19] =	ssyncadd.s32 $0xFFFFF800  }
0x78: {  	[spmem:s2] =	stream.indirect.scatter.add.f32 [tilespmem:s15], [sflag:$0x2], $0x10, s29, s14, $0xb8;
	[tilespmem:$0x9800] =	vst v63  }
0x79: {  	_ =	swait.ge [sflag:s12], $0x800  }
0x7a: {  	[sflag:s12] =	ssyncset.done $0x0  }
0x7b: {  	s30 =	sadd.s32 $0x2880, s21;
	[sflag:s12] =	ssyncadd.s32 $0xFFFFF800  }
0x7c: {  	[spmem:s2] =	stream.indirect.scatter.add.f32 [tilespmem:s16], [sflag:$0x2], $0x10, s30, s14, $0xb8;
	[tilespmem:$0x9800] =	vst v63  }
0x7d: {  	_ =	swait.ge [sflag:s12], $0x800  }
0x7e: {  	[sflag:s12] =	ssyncset.done $0x0  }
0x7f: {  	s31 =	sadd.s32 $0x2900, s21;
	[sflag:s12] =	ssyncadd.s32 $0xFFFFF800  }
0x80: {  	[spmem:s2] =	stream.indirect.scatter.add.f32 [tilespmem:s17], [sflag:$0x2], $0x10, s31, s14, $0xb8;
	[tilespmem:$0x9800] =	vst v63  }
0x81: {  	_ =	swait.ge [sflag:s12], $0x800  }
0x82: {  	[sflag:s12] =	ssyncset.done $0x0  }
0x83: {  	s21 =	sadd.s32 $0x2980, s21;
	[sflag:s12] =	ssyncadd.s32 $0xFFFFF800  }
0x84: {  	[spmem:s2] =	stream.indirect.scatter.add.f32 [tilespmem:s18], [sflag:$0x2], $0x10, s21, s14, $0xb8;
	[tilespmem:$0x9800] =	vst v63  }
0x85: {  	_ =	swait.ge [sflag:s12], $0x800  }
0x86: {  	s20 =	sadd.s32 $0x1, s20;
	[sflag:s12] =	ssyncset.done $0x0  }
0x87: {  	p0 =	sne.s32 s20, s10;
	[sflag:s12] =	ssyncadd.s32 $0xFFFFF800  }
.Ltmp1:
0x88: {  	[bflag:$0x0] =	sbarrier.arrive $0xFFFF;
	(pc) =	sbr.rel @p0 .LBB2_1-.Ltmp1, $4  }
0x89: {  	[hbm:s9], [sflag:s6] =	dma.local [spmem:s11], $0x500  }
0x8a: {  	_ =	swait.ge [sflag:s12], $0x500  }
0x8b: {  	[sflag:s12] =	ssyncset.done $0x0  }
0x8c: {  	[sflag:s12] =	ssyncadd.s32 $0xFFFFFB00  }
0x8d: {  	_ =	sfence.sel $0x180000  }
0x8e: {  	[bflag:$0x0] =	sbarrier.arrive $0xFFFF  }
0x8f: {  	p0 =	sne.s32 s0, $0x0;
	_ =	strace $0x9000004A  }
0x90: {  	s0 =	sadd.s32 @!p0 $0x100000, s1;
	[bflag:$0x2] =	sbarrier.arrive $0xFFFF  }
0x91: {  	[sflag:s0] =	ssyncadd.tile.s32 @!p0 $0x1;
	_ =	shalt  }
.Lfunc_end2:
_tile_overlayer_lowered:
.L_overlay_start_2:
0x92: {  	(tag) =	ssettag $0x2  }
0x93: {  	s0 =	rddreg [dreg:$0x0];
	s2 =	stileid.u32  }
0x94: {  	s1 =	rddreg [dreg:$0x1];
	p0 =	sne.s32 s2, $0x0  }
0x95: {  	s3 =	rddreg [dreg:$0x2];
	[bflag:$0x3] =	sbarrier.arrive $0xFFFF;
	s2 =	simm.s32 @!p0 $0x1C02  }
0x96: {  	[timem:s3], [sflag:s2] =	dma.local @!p0 [hbm:s0], s1  }
0x97: {  	s0 =	simm.s32 @!p0 $0x2  }
0x98: {  	_ =	swait.ge @!p0 [sflag:s0], s1  }
0x99: {  	s1 =	ssub.s32 @!p0 $0x0, s1;
	[sflag:s0] =	ssyncset.done @!p0 $0x0  }
0x9a: {  	[sflag:s0] =	ssyncadd.s32 @!p0 s1  }
0x9b: {  	[bflag:$0x3] =	sbarrier.arrive $0xFFFF  }
0x9c: {  	_ =	shalt  }

// kernel: kernel.14.cloned.1.call-start
scs
__scs_entry_jumppad:
0x0: {  	(pc) =	sbr.rel $0x88, $3  }
0x1: {  	(tag) =	ssettag $0x0;
	lr =	simm.s32 $0x1  }
0x2: {  	[smem:$0x3F9B] =	sst lr;
	_ =	strace $0xD0000000  }
0x3: {  	_ = 	snop  }
0x4: {  	_ = 	snop  }
0x5: {  	_ = 	snop  }
0x6: {  	_ = 	snop  }
0x7: {  	_ = 	snop  }
__scs_overlays_trampoline_lowered:
0x8: {  	[smem:$0x3FAA] =	sst s0  }
0x9: {  	[smem:$0x3FAB] =	sst s1  }
0xa: {  	[smem:$0x3FAC] =	sst s2  }
0xb: {  	[smem:$0x3FAD] =	sst s3  }
0xc: {  	[smem:$0x3FAE] =	sst s4  }
0xd: {  	[smem:$0x3FAF] =	sst s5  }
0xe: {  	[smem:$0x3FB0] =	sst s6  }
0xf: {  	[smem:$0x3FB1] =	sst s7  }
0x10: {  	[smem:$0x3FB2] =	sst s8  }
0x11: {  	[smem:$0x3FB3] =	sst s9;
	s0 =	simm.s32 @!p0 $0x0  }
0x12: {  	s1 =	sld [smem:$0x3F99];
	s0 =	simm.s32 @p0 $0x1  }
0x13: {  	[smem:$0x3FB4] =	sst s0;
	s0 =	simm.s32 @!p1 $0x0  }
0x14: {  	s2 =	sld [smem:$0x3F98];
	s0 =	simm.s32 @p1 $0x1  }
0x15: {  	[smem:$0x3FB5] =	sst s0;
	s0 =	simm.s32 @!p2 $0x0  }
0x16: {  	s3 =	sld [smem:$0x3FDB];
	s0 =	simm.s32 @p2 $0x1  }
0x17: {  	s4 =	simm.s32 $0x1BF5;
	[smem:$0x3FB7] =	sst s0  }
0x18: {  	s0 =	sld [smem:$0x3F9A];
	_ =	swait.ge [sflag:s4], $0x0  }
0x19: {  	s7 =	sld [smem:$0x3F9B]  }
0x1a: {  	s8 =	sadd.s32 $0xFFFFE003, lr  }
0x1b: {  	s9 =	sadd.s32 $0xFFFFFEF7, lr;
	s5 =	simm.s32 $0xFFFFFFFF;
	p2 =	slt.u32 s8, $0xFFFFF086  }
0x1c: {  	p1 =	slt.u32 s9, $0xF7A;
	s5 =	simm.s32 @!p2 $0x0  }
0x1d: {  	s5 =	simm.s32 @p1 $0x1;
	p0 =	seq.s32 s7, s2  }
0x1e: {  	s7 =	smul.u32 @!p0 $0xF7A, s2;
	p2 =	seq.s32 @!p0 s5, $0x0  }
0x1f: {  	s9 =	smul.u32 $0xF7A, s1;
	s8 =	simm.s32 @!p0 $0x1BF5;
	p2 =	por !p2, p0  }
0x20: {  	[sflag:s8] =	ssyncset.s32 @!p0 $0xFFFFF086;
	s6 =	sadd.s32 @!p0 s3, s7;
	s7 =	simm.s32 @!p0 $0x108  }
0x21: {  	s3 =	sadd.s32 s3, s9;
	s6 =	sadd.s32 @!p0 $0x88, s6;
	s7 =	simm.s32 @p2 $0x1082  }
0x22: {  	[simem:s7], [sflag:s8] =	dma.local @!p0 [hbm:s6], $0xF7A  }
0x23: {  	s9 =	sor.u32 $0xD0000000, s2;
	s6 =	simm.s32 $0x108;
	_ =	swait.ge @!p0 [sflag:s8], $0x0  }
0x24: {  	s3 =	sadd.s32 $0x88, s3;
	s6 =	simm.s32 @!p1 $0x1082;
	[sflag:s4] =	ssyncset.s32 $0xFFFFF086  }
0x25: {  	[simem:s6], [sflag:s4] =	dma.local [hbm:s3], $0xF7A  }
0x26: {  	[smem:$0x3F9B] =	sst s1;
	(tag) =	ssettag s2;
	_ =	strace s9  }
0x27: {  	s1 =	sld [smem:$0x3FAB]  }
0x28: {  	s2 =	sld [smem:$0x3FAC]  }
0x29: {  	s4 =	sld [smem:$0x3FAE]  }
0x2a: {  	p0 =	seq.s32 s5, $0x0;
	s5 =	sld [smem:$0x3FAF]  }
0x2b: {  	s6 =	sld [smem:$0x3FB0]  }
0x2c: {  	s7 =	sld [smem:$0x3FB1]  }
0x2d: {  	s3 =	simm.s32 $0x108;
	s8 =	sld [smem:$0x3FB2]  }
0x2e: {  	s3 =	simm.s32 @!p0 $0x1082;
	s9 =	sld [smem:$0x3FB3]  }
0x2f: {  	lr =	sadd.s32 s0, s3;
	s0 =	sld [smem:$0x3FAA]  }
0x30: {  	s3 =	sld [smem:$0x3FAD]  }
0x31: {  	[smem:$0x3FB6] =	sst s10  }
0x32: {  	s10 =	sld [smem:$0x3FB4];
	_ =	sdelay $0x3  }
0x33: {  	p0 =	seq.s32 s10, $0x1;
	s10 =	sld [smem:$0x3FB6];
	_ =	sdelay $0x3  }
0x34: {  	[smem:$0x3FB6] =	sst s10  }
0x35: {  	s10 =	sld [smem:$0x3FB5];
	_ =	sdelay $0x3  }
0x36: {  	p1 =	seq.s32 s10, $0x1;
	s10 =	sld [smem:$0x3FB6];
	_ =	sdelay $0x3  }
0x37: {  	[smem:$0x3FB6] =	sst s10  }
0x38: {  	s10 =	sld [smem:$0x3FB7]  }
0x39: {  	_ = 	snop;
	(pc) =	sbr.ind lr, $3  }
0x3a: {  	_ = 	snop  }
0x3b: {  	_ = 	snop  }
0x3c: {  	p2 =	seq.s32 s10, $0x1;
	s10 =	sld [smem:$0x3FB6]  }
0x3d: {  	_ =	shalt  }
0x3e: {  	_ =	shalt  }
0x3f: {  	_ =	shalt  }
0x40: {  	_ =	shalt  }
0x41: {  	_ =	shalt  }
0x42: {  	_ =	shalt  }
0x43: {  	_ =	shalt  }
0x44: {  	_ =	shalt  }
0x45: {  	_ =	shalt  }
0x46: {  	_ =	shalt  }
0x47: {  	_ =	shalt  }
0x48: {  	_ =	shalt  }
0x49: {  	_ =	shalt  }
0x4a: {  	_ =	shalt  }
0x4b: {  	_ =	shalt  }
0x4c: {  	_ =	shalt  }
0x4d: {  	_ =	shalt  }
0x4e: {  	_ =	shalt  }
0x4f: {  	_ =	shalt  }
0x50: {  	_ =	shalt  }
0x51: {  	_ =	shalt  }
0x52: {  	_ =	shalt  }
0x53: {  	_ =	shalt  }
0x54: {  	_ =	shalt  }
0x55: {  	_ =	shalt  }
0x56: {  	_ =	shalt  }
0x57: {  	_ =	shalt  }
0x58: {  	_ =	shalt  }
0x59: {  	_ =	shalt  }
0x5a: {  	_ =	shalt  }
0x5b: {  	_ =	shalt  }
0x5c: {  	_ =	shalt  }
0x5d: {  	_ =	shalt  }
0x5e: {  	_ =	shalt  }
0x5f: {  	_ =	shalt  }
0x60: {  	_ =	shalt  }
0x61: {  	_ =	shalt  }
0x62: {  	_ =	shalt  }
0x63: {  	_ =	shalt  }
0x64: {  	_ =	shalt  }
0x65: {  	_ =	shalt  }
0x66: {  	_ =	shalt  }
0x67: {  	_ =	shalt  }
0x68: {  	_ =	shalt  }
0x69: {  	_ =	shalt  }
0x6a: {  	_ =	shalt  }
0x6b: {  	_ =	shalt  }
0x6c: {  	_ =	shalt  }
0x6d: {  	_ =	shalt  }
0x6e: {  	_ =	shalt  }
0x6f: {  	_ =	shalt  }
0x70: {  	_ =	shalt  }
0x71: {  	_ =	shalt  }
0x72: {  	_ =	shalt  }
0x73: {  	_ =	shalt  }
0x74: {  	_ =	shalt  }
0x75: {  	_ =	shalt  }
0x76: {  	_ =	shalt  }
0x77: {  	_ =	shalt  }
0x78: {  	_ =	shalt  }
0x79: {  	_ =	shalt  }
0x7a: {  	_ =	shalt  }
0x7b: {  	_ =	shalt  }
0x7c: {  	_ =	shalt  }
0x7d: {  	_ =	shalt  }
0x7e: {  	_ =	shalt  }
0x7f: {  	_ =	shalt  }
0x80: {  	_ =	shalt  }
0x81: {  	_ =	shalt  }
0x82: {  	_ =	shalt  }
0x83: {  	_ =	shalt  }
0x84: {  	_ =	shalt  }
0x85: {  	_ =	shalt  }
0x86: {  	_ =	shalt  }
0x87: {  	_ =	shalt  }
.Lfunc_end0:
.L_simem_size_0:
called_computation.2_lowered:
.L_overlay_start_0:
0x88: {  	s2 =	sld [smem:$0x3FD9]  }
0x89: {  	s3 =	sld [smem:$0x3FFE];
	_ =	sdelay $0x1  }
0x8a: {  	s1 =	srdreg.scid  }
0x8b: {  	s0 =	sand.u32 $0x1, s1  }
0x8c: {  	s17 =	sshll.u32 s0, $0xA;
	s2 =	sadd.s32 s3, s2  }
0x8d: {  	s2 =	sadd.s32 s2, s17  }
0x8e: {  	[smem:$0x3FC2] =	sst s2  }
0x8f: {  	_ = 	snop  }
0x90: {  	s2 =	sld [smem:$0x3FD0];
	(tm) =	ssettm $0x1  }
0x91: {  	s18 =	sld [smem:$0x3FFB];
	_ =	sdelay $0x3  }
0x92: {  	_ =	strace s18  }
0x93: {  	s3 =	sld [smem:$0x3FFC];
	_ =	sdelay $0x3  }
0x94: {  	_ =	strace s3  }
0x95: {  	s3 =	sld [smem:$0x3FFD];
	_ =	sdelay $0x3  }
0x96: {  	_ =	strace s3  }
0x97: {  	_ =	strace $0x8FFFFFFF  }
0x98: {  	s19 =	sld [smem:$0x3FDB];
	_ =	sdelay $0x1  }
0x99: {  	s4 =	simm.s32 $_scs_section_size  }
0x9a: {  	s5 =	simm.s32 $_size__tile_overlayer_lowered;
	s6 =	simm.s32 $_tile_overlayer_lowered  }
0x9b: {  	s22 =	simm.s32 $0x1BFF;
	s21 =	sshll.u32 s6, $0x1;
	s3 =	sadd.s32 s4, s19  }
0x9c: {  	s7 =	simm.s32 $0x0;
	s20 =	sshll.u32 s5, $0x1;
	s5 =	sadd.s32 s21, s3  }
0x9d: {  	[timem:s7], [sflag:s22] =	dma.local [hbm:s5], s20  }
0x9e: {  	_ =	swait.ge [sflag:s22], s20  }
0x9f: {  	s4 =	ssub.s32 $0x0, s20;
	[sflag:s22] =	ssyncset.done $0x0  }
0xa0: {  	[sflag:s22] =	ssyncadd.s32 s4;
	_ =	sdelay $0x1  }
0xa1: {  	s23 =	simm.s32 $0x1B8B  }
0xa2: {  	_ =	swait.ge [sflag:s23], $0x1  }
0xa3: {  	[sflag:s23] =	ssyncset.done $0x0  }
0xa4: {  	s25 =	simm.s32 $0x1B8E;
	s24 =	sld [smem:$0x3FFE];
	[sflag:s23] =	ssyncadd.s32 $0xFFFFFFFF  }
0xa5: {  	s26 =	simm.s32 $execute0_lowered;
	[smem:$0x3FD2] =	sst s25  }
0xa6: {  	s5 =	sshll.u32 s26, $0x1;
	_ =	strace $0x8000004C;
	[dreg:$0x1] =	wrdreg $0xFFFFFFFF  }
0xa7: {  	s28 =	simm.s32 $_size_execute0_lowered;
	s3 =	sadd.s32 s3, s5;
	[dreg:$0x0] =	wrdreg $0x0  }
0xa8: {  	s5 =	sshll.u32 s28, $0x1;
	[dreg:$0x2] =	wrdreg s3  }
0xa9: {  	[dreg:$0x3] =	wrdreg s5  }
0xaa: {  	[dreg:$0x4] =	wrdreg $0xC0  }
0xab: {  	_ =	task [dreg:s7], $0x5FFFF  }
0xac: {  	[dreg:$0x1] =	wrdreg $0xFFFFFFFF  }
0xad: {  	[dreg:$0x0] =	wrdreg $0x60  }
0xae: {  	[dreg:$0x2] =	wrdreg s24  }
0xaf: {  	[dreg:$0x3] =	wrdreg s2  }
0xb0: {  	[dreg:$0x4] =	wrdreg $0x70000  }
0xb1: {  	[dreg:$0x5] =	wrdreg $0x9  }
0xb2: {  	_ =	task.clear_ibuf [dreg:s7], $0x6FFFF;
	_ =	strace $0x9000004C  }
0xb3: {  	s29 =	simm.s32 $0x9;
	_ =	strace $0x8000004E  }
0xb4: {  	_ =	swait.ge [sflag:s29], $0x1  }
0xb5: {  	[sflag:s29] =	ssyncadd.s32 $0xFFFFFFFF  }
0xb6: {  	_ =	strace $0x9000004E  }
0xb7: {  	_ =	sfence  }
0xb8: {  	s30 =	sld [smem:$0x0];
	_ =	sdelay $0x2  }
0xb9: {  	s31 =	sshll.u32 s1, $0xD;
	s1 =	sshrl.u32 s1, $0x2  }
0xba: {  	s3 =	sand.u32 $0x4000, s31;
	s1 =	sadd.s32 s1, s30  }
0xbb: {  	s0 =	sor.u32 s3, s0;
	s1 =	sshll.u32 s1, $0x11  }
0xbc: {  	s0 =	sor.u32 s1, s0  }
0xbd: {  	s0 =	sadd.s32 $0x8F2B, s0  }
0xbe: {  	[sflag:s0] =	ssyncadd.remote.s32 $0x1  }
0xbf: {  	_ =	sfence.sel $0xFFFF  }
0xc0: {  	[dreg:$0x0] =	wrdreg $0xFFFFFFFF;
	(pc) =	sbr.abs _section_cstart, $3  }
0xc1: {  	[dreg:$0x1] =	wrdreg $0xFFFFFFFF  }
0xc2: {  	_ =	task.clear_ibuf [dreg:s7], $0x2FFFF;
	_ =	strace $0x9FFFFFFF  }
0xc3: {  	(tm) =	ssettm $0x7FFFFFFF  }
tec
execute0_lowered:
.L_overlay_start_1:
0x0: {  	(tag) =	ssettag $0x1  }
0x1: {  	s6 =	rddreg [dreg:$0x0]  }
0x2: {  	s8 =	rddreg [dreg:$0x1]  }
0x3: {  	s0 =	srdreg.scid;
	s2 =	rddreg [dreg:$0x2]  }
0x4: {  	s3 =	simm.s32 $0x0;
	s15 =	simm.s32 $0x5000;
	s16 =	simm.s32 $0x5800  }
0x5: {  	s17 =	simm.s32 $0x6000;
	s18 =	simm.s32 $0x6800;
	s19 =	simm.s32 $0x1  }
0x6: {  	s20 =	simm.s32 $0x0;
	s5 =	sand.u32 $0x1, s0;
	s0 =	stileid.u32  }
0x7: {  	[smem:$0x7FF] =	sst s3;
	s4 =	sadd.s32 $0xC800, s6;
	s7 =	smul.u32 $0x2800, s0  }
0x8: {  	s1 =	sshll.u32 s5, $0x4;
	s10 =	smul.u32 $0x28000, s5;
	s5 =	ssub.s32 $0x2, s5  }
0x9: {  	s31 =	sshll.u32 s0, $0x6;
	s1 =	sor.u32 s0, s1;
	s13 =	sshrl.u32 s5, $0x1  }
0xa: {  	s9 =	smul.u32 $0x500, s1;
	s1 =	rddreg [dreg:$0x3];
	_ =	strace $0x8000004D  }
0xb: {  	s10 =	sadd.s32 s7, s10;
	s12 =	sshrl.u32 s7, $0x3;
	s13 =	ssub.s32 s5, s13  }
0xc: {  	s14 =	sadd.s32 s7, s2;
	s10 =	sshrl.u32 s10, $0x3;
	s12 =	sadd.s32 s12, s6  }
0xd: {  	s11 =	sadd.s32 s9, s6;
	s10 =	sadd.s32 s10, s6;
	s5 =	sadd.s32 $0x11800, s12  }
0xe: {  	s6 =	sor.u32 $0x1C02, s31;
	s8 =	sadd.s32 s8, s9;
	s12 =	simm.s32 $0x2  }
0xf: {  	s7 =	sadd.s32 $0x2800, s11;
	s9 =	sadd.s32 $0x16800, s10;
	s10 =	smax.u32 s13, $0x1  }
0x10: {  	s11 =	sshrl.u32 s14, $0x3;
	s13 =	simm.s32 $0x2800;
	s14 =	simm.s32 $0x80  }
.LBB2_1:
0x11: {  	[spmem:s11], [sflag:s6] =	dma.local [hbm:s5], $0x500  }
0x12: {  	_ =	swait.ge [sflag:s12], $0x500  }
0x13: {  	[sflag:s12] =	ssyncset.done $0x0  }
0x14: {  	[sflag:s12] =	ssyncadd.s32 $0xFFFFFB00  }
0x15: {  	[tilespmem:s3], [sflag:$0x2] =	stream.linear.gather [hbm4b:s7+s3], $0x2800, $0x38;
	[tilespmem:$0x9800] =	vst v63  }
0x16: {  	_ =	swait.ge [sflag:s12], $0x2800  }
0x17: {  	[sflag:s12] =	ssyncset.done $0x0  }
0x18: {  	[sflag:s12] =	ssyncadd.s32 $0xFFFFD800  }
0x19: {  	[tilespmem:s13], [sflag:$0x2] =	stream.linear.gather [hbm4b:s8+s3], $0x2800, $0x38;
	[tilespmem:$0x9800] =	vst v63  }
0x1a: {  	_ =	swait.ge [sflag:s12], $0x2800  }
0x1b: {  	[sflag:s12] =	ssyncset.done $0x0  }
0x1c: {  	[sflag:s12] =	ssyncadd.s32 $0xFFFFD800  }
0x1d: {  	s21 =	simm.s32 $0x0;
	[bflag:$0x0] =	sbarrier.arrive $0xFFFF  }
0x1e: {  	[tilespmem:s15], [sflag:$0x1] =	stream.indirect.gather [hbm4b:s4+s14], $0x10, s21, s14, $0xb8;
	[tilespmem:$0x9800] =	vst v63  }
0x1f: {  	s24 =	simm.s32 $0x80  }
0x20: {  	[tilespmem:s16], [sflag:$0x1] =	stream.indirect.gather [hbm4b:s4+s14], $0x10, s24, s14, $0xb8;
	[tilespmem:$0x9800] =	vst v63  }
0x21: {  	s25 =	simm.s32 $0x100  }
0x22: {  	[tilespmem:s17], [sflag:$0x1] =	stream.indirect.gather [hbm4b:s4+s14], $0x10, s25, s14, $0xb8;
	[tilespmem:$0x9800] =	vst v63  }
0x23: {  	s26 =	simm.s32 $0x180  }
0x24: {  	[tilespmem:s18], [sflag:$0x1] =	stream.indirect.gather [hbm4b:s4+s14], $0x10, s26, s14, $0xb8;
	[tilespmem:$0x9800] =	vst v63  }
0x25: {  	_ =	swait.ge [sflag:s19], $0x800  }
0x26: {  	[sflag:s19] =	ssyncset.done $0x0  }
0x27: {  	[sflag:s19] =	ssyncadd.s32 $0xFFFFF800  }
0x28: {  	_ =	swait.ge [sflag:s19], $0x800  }
0x29: {  	[sflag:s19] =	ssyncset.done $0x0  }
0x2a: {  	[sflag:s19] =	ssyncadd.s32 $0xFFFFF800  }
0x2b: {  	_ =	swait.ge [sflag:s19], $0x800  }
0x2c: {  	[sflag:s19] =	ssyncset.done $0x0  }
0x2d: {  	[sflag:s19] =	ssyncadd.s32 $0xFFFFF800  }
0x2e: {  	_ =	swait.ge [sflag:s19], $0x800  }
0x2f: {  	[sflag:s19] =	ssyncset.done $0x0  }
0x30: {  	s28 =	simm.s32 $0x2800;
	[sflag:s19] =	ssyncadd.s32 $0xFFFFF800  }
0x31: {  	[spmem:s2] =	stream.indirect.scatter.add.f32 [tilespmem:s15], [sflag:$0x2], $0x10, s28, s14, $0xb8;
	[tilespmem:$0x9800] =	vst v63  }
0x32: {  	_ =	swait.ge [sflag:s12], $0x800  }
0x33: {  	[sflag:s12] =	ssyncset.done $0x0  }
0x34: {  	s29 =	simm.s32 $0x2880;
	[sflag:s12] =	ssyncadd.s32 $0xFFFFF800  }
0x35: {  	[spmem:s2] =	stream.indirect.scatter.add.f32 [tilespmem:s16], [sflag:$0x2], $0x10, s29, s14, $0xb8;
	[tilespmem:$0x9800] =	vst v63  }
0x36: {  	_ =	swait.ge [sflag:s12], $0x800  }
0x37: {  	[sflag:s12] =	ssyncset.done $0x0  }
0x38: {  	s30 =	simm.s32 $0x2900;
	[sflag:s12] =	ssyncadd.s32 $0xFFFFF800  }
0x39: {  	[spmem:s2] =	stream.indirect.scatter.add.f32 [tilespmem:s17], [sflag:$0x2], $0x10, s30, s14, $0xb8;
	[tilespmem:$0x9800] =	vst v63  }
0x3a: {  	_ =	swait.ge [sflag:s12], $0x800  }
0x3b: {  	[sflag:s12] =	ssyncset.done $0x0  }
0x3c: {  	s31 =	simm.s32 $0x2980;
	[sflag:s12] =	ssyncadd.s32 $0xFFFFF800  }
0x3d: {  	[spmem:s2] =	stream.indirect.scatter.add.f32 [tilespmem:s18], [sflag:$0x2], $0x10, s31, s14, $0xb8;
	[tilespmem:$0x9800] =	vst v63  }
0x3e: {  	_ =	swait.ge [sflag:s12], $0x800  }
0x3f: {  	s21 =	simm.s32 $0x800;
	s24 =	simm.s32 $0x1000;
	[sflag:s12] =	ssyncset.done $0x0  }
.LBB2_2:
0x40: {  	s23 =	sshra.s32 s21, $0x2  }
0x41: {  	[sflag:s12] =	ssyncadd.s32 $0xFFFFF800;
	s21 =	smov.u32 s24;
	s22 =	sadd.s32 $0x800, s24  }
0x42: {  	[tilespmem:s15], [sflag:$0x1] =	stream.indirect.gather [hbm4b:s4+s14], $0x10, s23, s14, $0xb8;
	[tilespmem:$0x9800] =	vst v63  }
0x43: {  	p0 =	sne.s32 s24, $0x9800;
	s24 =	sadd.s32 $0x80, s23  }
0x44: {  	[tilespmem:s16], [sflag:$0x1] =	stream.indirect.gather [hbm4b:s4+s14], $0x10, s24, s14, $0xb8;
	[tilespmem:$0x9800] =	vst v63  }
0x45: {  	s24 =	sadd.s32 $0x100, s23  }
0x46: {  	[tilespmem:s17], [sflag:$0x1] =	stream.indirect.gather [hbm4b:s4+s14], $0x10, s24, s14, $0xb8;
	[tilespmem:$0x9800] =	vst v63  }
0x47: {  	s24 =	sadd.s32 $0x180, s23  }
0x48: {  	[tilespmem:s18], [sflag:$0x1] =	stream.indirect.gather [hbm4b:s4+s14], $0x10, s24, s14, $0xb8;
	[tilespmem:$0x9800] =	vst v63  }
0x49: {  	_ =	swait.ge [sflag:s19], $0x800  }
0x4a: {  	[sflag:s19] =	ssyncset.done $0x0  }
0x4b: {  	[sflag:s19] =	ssyncadd.s32 $0xFFFFF800  }
0x4c: {  	_ =	swait.ge [sflag:s19], $0x800  }
0x4d: {  	[sflag:s19] =	ssyncset.done $0x0  }
0x4e: {  	[sflag:s19] =	ssyncadd.s32 $0xFFFFF800  }
0x4f: {  	_ =	swait.ge [sflag:s19], $0x800  }
0x50: {  	[sflag:s19] =	ssyncset.done $0x0  }
0x51: {  	[sflag:s19] =	ssyncadd.s32 $0xFFFFF800  }
0x52: {  	_ =	swait.ge [sflag:s19], $0x800  }
0x53: {  	[sflag:s19] =	ssyncset.done $0x0  }
0x54: {  	s24 =	sadd.s32 $0x2800, s23;
	[sflag:s19] =	ssyncadd.s32 $0xFFFFF800  }
0x55: {  	[spmem:s2] =	stream.indirect.scatter.add.f32 [tilespmem:s15], [sflag:$0x2], $0x10, s24, s14, $0xb8;
	[tilespmem:$0x9800] =	vst v63  }
0x56: {  	_ =	swait.ge [sflag:s12], $0x800  }
0x57: {  	[sflag:s12] =	ssyncset.done $0x0  }
0x58: {  	s24 =	sadd.s32 $0x2880, s23;
	[sflag:s12] =	ssyncadd.s32 $0xFFFFF800  }
0x59: {  	[spmem:s2] =	stream.indirect.scatter.add.f32 [tilespmem:s16], [sflag:$0x2], $0x10, s24, s14, $0xb8;
	[tilespmem:$0x9800] =	vst v63  }
0x5a: {  	_ =	swait.ge [sflag:s12], $0x800  }
0x5b: {  	[sflag:s12] =	ssyncset.done $0x0  }
0x5c: {  	s24 =	sadd.s32 $0x2900, s23;
	[sflag:s12] =	ssyncadd.s32 $0xFFFFF800  }
0x5d: {  	[spmem:s2] =	stream.indirect.scatter.add.f32 [tilespmem:s17], [sflag:$0x2], $0x10, s24, s14, $0xb8;
	[tilespmem:$0x9800] =	vst v63  }
0x5e: {  	_ =	swait.ge [sflag:s12], $0x800  }
.Ltmp0:
0x5f: {  	[sflag:s12] =	ssyncset.done $0x0;
	(pc) =	sbr.rel @p0 .LBB2_2-.Ltmp0, $4  }
0x60: {  	s23 =	sadd.s32 $0x2980, s23;
	[sflag:s12] =	ssyncadd.s32 $0xFFFFF800  }
0x61: {  	[spmem:s2] =	stream.indirect.scatter.add.f32 [tilespmem:s18], [sflag:$0x2], $0x10, s23, s14, $0xb8;
	[tilespmem:$0x9800] =	vst v63  }
0x62: {  	_ =	swait.ge [sflag:s12], $0x800  }
0x63: {  	s24 =	smov.u32 s22;
	[sflag:s12] =	ssyncset.done $0x0  }
0x64: {  	s21 =	sshra.s32 s21, $0x2;
	[sflag:s12] =	ssyncadd.s32 $0xFFFFF800  }
0x65: {  	[tilespmem:s15], [sflag:$0x1] =	stream.indirect.gather [hbm4b:s4+s14], $0x10, s21, s14, $0xb8;
	[tilespmem:$0x9800] =	vst v63  }
0x66: {  	s22 =	sadd.s32 $0x80, s21  }
0x67: {  	[tilespmem:s16], [sflag:$0x1] =	stream.indirect.gather [hbm4b:s4+s14], $0x10, s22, s14, $0xb8;
	[tilespmem:$0x9800] =	vst v63  }
0x68: {  	s26 =	sadd.s32 $0x100, s21  }
0x69: {  	[tilespmem:s17], [sflag:$0x1] =	stream.indirect.gather [hbm4b:s4+s14], $0x10, s26, s14, $0xb8;
	[tilespmem:$0x9800] =	vst v63  }
0x6a: {  	s28 =	sadd.s32 $0x180, s21  }
0x6b: {  	[tilespmem:s18], [sflag:$0x1] =	stream.indirect.gather [hbm4b:s4+s14], $0x10, s28, s14, $0xb8;
	[tilespmem:$0x9800] =	vst v63  }
0x6c: {  	_ =	swait.ge [sflag:s19], $0x800  }
0x6d: {  	[sflag:s19] =	ssyncset.done $0x0  }
0x6e: {  	[sflag:s19] =	ssyncadd.s32 $0xFFFFF800  }
0x6f: {  	_ =	swait.ge [sflag:s19], $0x800  }
0x70: {  	[sflag:s19] =	ssyncset.done $0x0  }
0x71: {  	[sflag:s19] =	ssyncadd.s32 $0xFFFFF800  }
0x72: {  	_ =	swait.ge [sflag:s19], $0x800  }
0x73: {  	[sflag:s19] =	ssyncset.done $0x0  }
0x74: {  	[sflag:s19] =	ssyncadd.s32 $0xFFFFF800  }
0x75: {  	_ =	swait.ge [sflag:s19], $0x800  }
0x76: {  	[sflag:s19] =	ssyncset.done $0x0  }
0x77: {  	s29 =	sadd.s32 $0x2800, s21;
	[sflag:s19] =	ssyncadd.s32 $0xFFFFF800  }
0x78: {  	[spmem:s2] =	stream.indirect.scatter.add.f32 [tilespmem:s15], [sflag:$0x2], $0x10, s29, s14, $0xb8;
	[tilespmem:$0x9800] =	vst v63  }
0x79: {  	_ =	swait.ge [sflag:s12], $0x800  }
0x7a: {  	[sflag:s12] =	ssyncset.done $0x0  }
0x7b: {  	s30 =	sadd.s32 $0x2880, s21;
	[sflag:s12] =	ssyncadd.s32 $0xFFFFF800  }
0x7c: {  	[spmem:s2] =	stream.indirect.scatter.add.f32 [tilespmem:s16], [sflag:$0x2], $0x10, s30, s14, $0xb8;
	[tilespmem:$0x9800] =	vst v63  }
0x7d: {  	_ =	swait.ge [sflag:s12], $0x800  }
0x7e: {  	[sflag:s12] =	ssyncset.done $0x0  }
0x7f: {  	s31 =	sadd.s32 $0x2900, s21;
	[sflag:s12] =	ssyncadd.s32 $0xFFFFF800  }
0x80: {  	[spmem:s2] =	stream.indirect.scatter.add.f32 [tilespmem:s17], [sflag:$0x2], $0x10, s31, s14, $0xb8;
	[tilespmem:$0x9800] =	vst v63  }
0x81: {  	_ =	swait.ge [sflag:s12], $0x800  }
0x82: {  	[sflag:s12] =	ssyncset.done $0x0  }
0x83: {  	s21 =	sadd.s32 $0x2980, s21;
	[sflag:s12] =	ssyncadd.s32 $0xFFFFF800  }
0x84: {  	[spmem:s2] =	stream.indirect.scatter.add.f32 [tilespmem:s18], [sflag:$0x2], $0x10, s21, s14, $0xb8;
	[tilespmem:$0x9800] =	vst v63  }
0x85: {  	_ =	swait.ge [sflag:s12], $0x800  }
0x86: {  	s20 =	sadd.s32 $0x1, s20;
	[sflag:s12] =	ssyncset.done $0x0  }
0x87: {  	p0 =	sne.s32 s20, s10;
	[sflag:s12] =	ssyncadd.s32 $0xFFFFF800  }
.Ltmp1:
0x88: {  	[bflag:$0x0] =	sbarrier.arrive $0xFFFF;
	(pc) =	sbr.rel @p0 .LBB2_1-.Ltmp1, $4  }
0x89: {  	[hbm:s9], [sflag:s6] =	dma.local [spmem:s11], $0x500  }
0x8a: {  	_ =	swait.ge [sflag:s12], $0x500  }
0x8b: {  	[sflag:s12] =	ssyncset.done $0x0  }
0x8c: {  	[sflag:s12] =	ssyncadd.s32 $0xFFFFFB00  }
0x8d: {  	_ =	sfence.sel $0x180000  }
0x8e: {  	[bflag:$0x0] =	sbarrier.arrive $0xFFFF  }
0x8f: {  	p0 =	sne.s32 s0, $0x0;
	_ =	strace $0x9000004D  }
0x90: {  	s0 =	sadd.s32 @!p0 $0x100000, s1;
	[bflag:$0x2] =	sbarrier.arrive $0xFFFF  }
0x91: {  	[sflag:s0] =	ssyncadd.tile.s32 @!p0 $0x1;
	_ =	shalt  }
.Lfunc_end2:
_tile_overlayer_lowered:
.L_overlay_start_2:
0x92: {  	(tag) =	ssettag $0x2  }
0x93: {  	s0 =	rddreg [dreg:$0x0];
	s2 =	stileid.u32  }
0x94: {  	s1 =	rddreg [dreg:$0x1];
	p0 =	sne.s32 s2, $0x0  }
0x95: {  	s3 =	rddreg [dreg:$0x2];
	[bflag:$0x3] =	sbarrier.arrive $0xFFFF;
	s2 =	simm.s32 @!p0 $0x1C02  }
0x96: {  	[timem:s3], [sflag:s2] =	dma.local @!p0 [hbm:s0], s1  }
0x97: {  	s0 =	simm.s32 @!p0 $0x2  }
0x98: {  	_ =	swait.ge @!p0 [sflag:s0], s1  }
0x99: {  	s1 =	ssub.s32 @!p0 $0x0, s1;
	[sflag:s0] =	ssyncset.done @!p0 $0x0  }
0x9a: {  	[sflag:s0] =	ssyncadd.s32 @!p0 s1  }
0x9b: {  	[bflag:$0x3] =	sbarrier.arrive $0xFFFF  }
0x9c: {  	_ =	shalt  }

// kernel: kernel.8.cloned.1.call-start
scs
__scs_entry_jumppad:
0x0: {  	(pc) =	sbr.rel $0x88, $3  }
0x1: {  	(tag) =	ssettag $0x0;
	lr =	simm.s32 $0x1  }
0x2: {  	[smem:$0x3F9B] =	sst lr;
	_ =	strace $0xD0000000  }
0x3: {  	_ = 	snop  }
0x4: {  	_ = 	snop  }
0x5: {  	_ = 	snop  }
0x6: {  	_ = 	snop  }
0x7: {  	_ = 	snop  }
__scs_overlays_trampoline_lowered:
0x8: {  	[smem:$0x3FAA] =	sst s0  }
0x9: {  	[smem:$0x3FAB] =	sst s1  }
0xa: {  	[smem:$0x3FAC] =	sst s2  }
0xb: {  	[smem:$0x3FAD] =	sst s3  }
0xc: {  	[smem:$0x3FAE] =	sst s4  }
0xd: {  	[smem:$0x3FAF] =	sst s5  }
0xe: {  	[smem:$0x3FB0] =	sst s6  }
0xf: {  	[smem:$0x3FB1] =	sst s7  }
0x10: {  	[smem:$0x3FB2] =	sst s8  }
0x11: {  	[smem:$0x3FB3] =	sst s9;
	s0 =	simm.s32 @!p0 $0x0  }
0x12: {  	s1 =	sld [smem:$0x3F99];
	s0 =	simm.s32 @p0 $0x1  }
0x13: {  	[smem:$0x3FB4] =	sst s0;
	s0 =	simm.s32 @!p1 $0x0  }
0x14: {  	s2 =	sld [smem:$0x3F98];
	s0 =	simm.s32 @p1 $0x1  }
0x15: {  	[smem:$0x3FB5] =	sst s0;
	s0 =	simm.s32 @!p2 $0x0  }
0x16: {  	s3 =	sld [smem:$0x3FDB];
	s0 =	simm.s32 @p2 $0x1  }
0x17: {  	s4 =	simm.s32 $0x1BF5;
	[smem:$0x3FB7] =	sst s0  }
0x18: {  	s0 =	sld [smem:$0x3F9A];
	_ =	swait.ge [sflag:s4], $0x0  }
0x19: {  	s7 =	sld [smem:$0x3F9B]  }
0x1a: {  	s8 =	sadd.s32 $0xFFFFE003, lr  }
0x1b: {  	s9 =	sadd.s32 $0xFFFFFEF7, lr;
	s5 =	simm.s32 $0xFFFFFFFF;
	p2 =	slt.u32 s8, $0xFFFFF086  }
0x1c: {  	p1 =	slt.u32 s9, $0xF7A;
	s5 =	simm.s32 @!p2 $0x0  }
0x1d: {  	s5 =	simm.s32 @p1 $0x1;
	p0 =	seq.s32 s7, s2  }
0x1e: {  	s7 =	smul.u32 @!p0 $0xF7A, s2;
	p2 =	seq.s32 @!p0 s5, $0x0  }
0x1f: {  	s9 =	smul.u32 $0xF7A, s1;
	s8 =	simm.s32 @!p0 $0x1BF5;
	p2 =	por !p2, p0  }
0x20: {  	[sflag:s8] =	ssyncset.s32 @!p0 $0xFFFFF086;
	s6 =	sadd.s32 @!p0 s3, s7;
	s7 =	simm.s32 @!p0 $0x108  }
0x21: {  	s3 =	sadd.s32 s3, s9;
	s6 =	sadd.s32 @!p0 $0x88, s6;
	s7 =	simm.s32 @p2 $0x1082  }
0x22: {  	[simem:s7], [sflag:s8] =	dma.local @!p0 [hbm:s6], $0xF7A  }
0x23: {  	s9 =	sor.u32 $0xD0000000, s2;
	s6 =	simm.s32 $0x108;
	_ =	swait.ge @!p0 [sflag:s8], $0x0  }
0x24: {  	s3 =	sadd.s32 $0x88, s3;
	s6 =	simm.s32 @!p1 $0x1082;
	[sflag:s4] =	ssyncset.s32 $0xFFFFF086  }
0x25: {  	[simem:s6], [sflag:s4] =	dma.local [hbm:s3], $0xF7A  }
0x26: {  	[smem:$0x3F9B] =	sst s1;
	(tag) =	ssettag s2;
	_ =	strace s9  }
0x27: {  	s1 =	sld [smem:$0x3FAB]  }
0x28: {  	s2 =	sld [smem:$0x3FAC]  }
0x29: {  	s4 =	sld [smem:$0x3FAE]  }
0x2a: {  	p0 =	seq.s32 s5, $0x0;
	s5 =	sld [smem:$0x3FAF]  }
0x2b: {  	s6 =	sld [smem:$0x3FB0]  }
0x2c: {  	s7 =	sld [smem:$0x3FB1]  }
0x2d: {  	s3 =	simm.s32 $0x108;
	s8 =	sld [smem:$0x3FB2]  }
0x2e: {  	s3 =	simm.s32 @!p0 $0x1082;
	s9 =	sld [smem:$0x3FB3]  }
0x2f: {  	lr =	sadd.s32 s0, s3;
	s0 =	sld [smem:$0x3FAA]  }
0x30: {  	s3 =	sld [smem:$0x3FAD]  }
0x31: {  	[smem:$0x3FB6] =	sst s10  }
0x32: {  	s10 =	sld [smem:$0x3FB4];
	_ =	sdelay $0x3  }
0x33: {  	p0 =	seq.s32 s10, $0x1;
	s10 =	sld [smem:$0x3FB6];
	_ =	sdelay $0x3  }
0x34: {  	[smem:$0x3FB6] =	sst s10  }
0x35: {  	s10 =	sld [smem:$0x3FB5];
	_ =	sdelay $0x3  }
0x36: {  	p1 =	seq.s32 s10, $0x1;
	s10 =	sld [smem:$0x3FB6];
	_ =	sdelay $0x3  }
0x37: {  	[smem:$0x3FB6] =	sst s10  }
0x38: {  	s10 =	sld [smem:$0x3FB7]  }
0x39: {  	_ = 	snop;
	(pc) =	sbr.ind lr, $3  }
0x3a: {  	_ = 	snop  }
0x3b: {  	_ = 	snop  }
0x3c: {  	p2 =	seq.s32 s10, $0x1;
	s10 =	sld [smem:$0x3FB6]  }
0x3d: {  	_ =	shalt  }
0x3e: {  	_ =	shalt  }
0x3f: {  	_ =	shalt  }
0x40: {  	_ =	shalt  }
0x41: {  	_ =	shalt  }
0x42: {  	_ =	shalt  }
0x43: {  	_ =	shalt  }
0x44: {  	_ =	shalt  }
0x45: {  	_ =	shalt  }
0x46: {  	_ =	shalt  }
0x47: {  	_ =	shalt  }
0x48: {  	_ =	shalt  }
0x49: {  	_ =	shalt  }
0x4a: {  	_ =	shalt  }
0x4b: {  	_ =	shalt  }
0x4c: {  	_ =	shalt  }
0x4d: {  	_ =	shalt  }
0x4e: {  	_ =	shalt  }
0x4f: {  	_ =	shalt  }
0x50: {  	_ =	shalt  }
0x51: {  	_ =	shalt  }
0x52: {  	_ =	shalt  }
0x53: {  	_ =	shalt  }
0x54: {  	_ =	shalt  }
0x55: {  	_ =	shalt  }
0x56: {  	_ =	shalt  }
0x57: {  	_ =	shalt  }
0x58: {  	_ =	shalt  }
0x59: {  	_ =	shalt  }
0x5a: {  	_ =	shalt  }
0x5b: {  	_ =	shalt  }
0x5c: {  	_ =	shalt  }
0x5d: {  	_ =	shalt  }
0x5e: {  	_ =	shalt  }
0x5f: {  	_ =	shalt  }
0x60: {  	_ =	shalt  }
0x61: {  	_ =	shalt  }
0x62: {  	_ =	shalt  }
0x63: {  	_ =	shalt  }
0x64: {  	_ =	shalt  }
0x65: {  	_ =	shalt  }
0x66: {  	_ =	shalt  }
0x67: {  	_ =	shalt  }
0x68: {  	_ =	shalt  }
0x69: {  	_ =	shalt  }
0x6a: {  	_ =	shalt  }
0x6b: {  	_ =	shalt  }
0x6c: {  	_ =	shalt  }
0x6d: {  	_ =	shalt  }
0x6e: {  	_ =	shalt  }
0x6f: {  	_ =	shalt  }
0x70: {  	_ =	shalt  }
0x71: {  	_ =	shalt  }
0x72: {  	_ =	shalt  }
0x73: {  	_ =	shalt  }
0x74: {  	_ =	shalt  }
0x75: {  	_ =	shalt  }
0x76: {  	_ =	shalt  }
0x77: {  	_ =	shalt  }
0x78: {  	_ =	shalt  }
0x79: {  	_ =	shalt  }
0x7a: {  	_ =	shalt  }
0x7b: {  	_ =	shalt  }
0x7c: {  	_ =	shalt  }
0x7d: {  	_ =	shalt  }
0x7e: {  	_ =	shalt  }
0x7f: {  	_ =	shalt  }
0x80: {  	_ =	shalt  }
0x81: {  	_ =	shalt  }
0x82: {  	_ =	shalt  }
0x83: {  	_ =	shalt  }
0x84: {  	_ =	shalt  }
0x85: {  	_ =	shalt  }
0x86: {  	_ =	shalt  }
0x87: {  	_ =	shalt  }
.Lfunc_end0:
.L_simem_size_0:
called_computation_lowered:
.L_overlay_start_0:
0x88: {  	s2 =	sld [smem:$0x3FD9]  }
0x89: {  	s3 =	sld [smem:$0x3FFE];
	_ =	sdelay $0x1  }
0x8a: {  	s1 =	srdreg.scid  }
0x8b: {  	s0 =	sand.u32 $0x1, s1  }
0x8c: {  	s17 =	sshll.u32 s0, $0xA;
	s2 =	sadd.s32 s3, s2  }
0x8d: {  	s2 =	sadd.s32 s2, s17  }
0x8e: {  	[smem:$0x3FC2] =	sst s2  }
0x8f: {  	_ = 	snop  }
0x90: {  	s2 =	sld [smem:$0x3FD0];
	(tm) =	ssettm $0x1  }
0x91: {  	s18 =	sld [smem:$0x3FFB];
	_ =	sdelay $0x3  }
0x92: {  	_ =	strace s18  }
0x93: {  	s3 =	sld [smem:$0x3FFC];
	_ =	sdelay $0x3  }
0x94: {  	_ =	strace s3  }
0x95: {  	s3 =	sld [smem:$0x3FFD];
	_ =	sdelay $0x3  }
0x96: {  	_ =	strace s3  }
0x97: {  	_ =	strace $0x8FFFFFFF  }
0x98: {  	s19 =	sld [smem:$0x3FDB];
	_ =	sdelay $0x1  }
0x99: {  	s4 =	simm.s32 $_scs_section_size  }
0x9a: {  	s5 =	simm.s32 $_size__tile_overlayer_lowered;
	s6 =	simm.s32 $_tile_overlayer_lowered  }
0x9b: {  	s22 =	simm.s32 $0x1BFF;
	s21 =	sshll.u32 s6, $0x1;
	s3 =	sadd.s32 s4, s19  }
0x9c: {  	s7 =	simm.s32 $0x0;
	s20 =	sshll.u32 s5, $0x1;
	s5 =	sadd.s32 s21, s3  }
0x9d: {  	[timem:s7], [sflag:s22] =	dma.local [hbm:s5], s20  }
0x9e: {  	_ =	swait.ge [sflag:s22], s20  }
0x9f: {  	s4 =	ssub.s32 $0x0, s20;
	[sflag:s22] =	ssyncset.done $0x0  }
0xa0: {  	[sflag:s22] =	ssyncadd.s32 s4;
	_ =	sdelay $0x1  }
0xa1: {  	s23 =	simm.s32 $0x1B8B  }
0xa2: {  	_ =	swait.ge [sflag:s23], $0x1  }
0xa3: {  	[sflag:s23] =	ssyncset.done $0x0  }
0xa4: {  	s25 =	simm.s32 $0x1B8E;
	s24 =	sld [smem:$0x3FFE];
	[sflag:s23] =	ssyncadd.s32 $0xFFFFFFFF  }
0xa5: {  	s26 =	simm.s32 $execute0_lowered;
	[smem:$0x3FD2] =	sst s25  }
0xa6: {  	s5 =	sshll.u32 s26, $0x1;
	_ =	strace $0x80000046;
	[dreg:$0x1] =	wrdreg $0xFFFFFFFF  }
0xa7: {  	s28 =	simm.s32 $_size_execute0_lowered;
	s3 =	sadd.s32 s3, s5;
	[dreg:$0x0] =	wrdreg $0x0  }
0xa8: {  	s5 =	sshll.u32 s28, $0x1;
	[dreg:$0x2] =	wrdreg s3  }
0xa9: {  	[dreg:$0x3] =	wrdreg s5  }
0xaa: {  	[dreg:$0x4] =	wrdreg $0xC0  }
0xab: {  	_ =	task [dreg:s7], $0x5FFFF  }
0xac: {  	[dreg:$0x1] =	wrdreg $0xFFFFFFFF  }
0xad: {  	[dreg:$0x0] =	wrdreg $0x60  }
0xae: {  	[dreg:$0x2] =	wrdreg s2  }
0xaf: {  	[dreg:$0x3] =	wrdreg s24  }
0xb0: {  	[dreg:$0x4] =	wrdreg $0x28800  }
0xb1: {  	[dreg:$0x5] =	wrdreg $0x9  }
0xb2: {  	_ =	task.clear_ibuf [dreg:s7], $0x6FFFF;
	_ =	strace $0x90000046  }
0xb3: {  	s29 =	simm.s32 $0x9;
	_ =	strace $0x80000048  }
0xb4: {  	_ =	swait.ge [sflag:s29], $0x1  }
0xb5: {  	[sflag:s29] =	ssyncadd.s32 $0xFFFFFFFF  }
0xb6: {  	_ =	strace $0x90000048  }
0xb7: {  	_ =	sfence  }
0xb8: {  	s30 =	sld [smem:$0x0];
	_ =	sdelay $0x2  }
0xb9: {  	s31 =	sshll.u32 s1, $0xD;
	s1 =	sshrl.u32 s1, $0x2  }
0xba: {  	s3 =	sand.u32 $0x4000, s31;
	s1 =	sadd.s32 s1, s30  }
0xbb: {  	s0 =	sor.u32 s3, s0;
	s1 =	sshll.u32 s1, $0x11  }
0xbc: {  	s0 =	sor.u32 s1, s0  }
0xbd: {  	s0 =	sadd.s32 $0x8F2B, s0  }
0xbe: {  	[sflag:s0] =	ssyncadd.remote.s32 $0x1  }
0xbf: {  	_ =	sfence.sel $0xFFFF  }
0xc0: {  	[dreg:$0x0] =	wrdreg $0xFFFFFFFF;
	(pc) =	sbr.abs _section_cstart, $3  }
0xc1: {  	[dreg:$0x1] =	wrdreg $0xFFFFFFFF  }
0xc2: {  	_ =	task.clear_ibuf [dreg:s7], $0x2FFFF;
	_ =	strace $0x9FFFFFFF  }
0xc3: {  	(tm) =	ssettm $0x7FFFFFFF  }
tec
execute0_lowered:
.L_overlay_start_1:
0x0: {  	(tag) =	ssettag $0x1  }
0x1: {  	s7 =	rddreg [dreg:$0x0]  }
0x2: {  	s5 =	rddreg [dreg:$0x1]  }
0x3: {  	s2 =	rddreg [dreg:$0x2];
	s0 =	stileid.u32  }
0x4: {  	s4 =	srdreg.scid;
	s1 =	rddreg [dreg:$0x3]  }
0x5: {  	s3 =	simm.s32 $0x0;
	s13 =	simm.s32 $0x80;
	s14 =	simm.s32 $0x0  }
0x6: {  	s6 =	smul.u32 $0x280, s0;
	s8 =	sand.u32 $0x1, s4;
	[smem:$0x7FF] =	sst s3  }
0x7: {  	s4 =	sadd.s32 $0x1600, s5;
	s31 =	sshll.u32 s0, $0x6;
	s9 =	smul.u32 $0x2800, s8  }
0x8: {  	_ =	strace $0x80000047;
	s11 =	ssub.s32 $0x2, s8;
	s8 =	sshll.u32 s8, $0x4  }
0x9: {  	s29 =	sshrl.u32 s6, $0x3;
	s12 =	sshrl.u32 s11, $0x1;
	s8 =	sor.u32 s0, s8  }
0xa: {  	s30 =	sadd.s32 s6, s2;
	s10 =	sadd.s32 s29, s5;
	s9 =	sadd.s32 s6, s9  }
0xb: {  	s11 =	ssub.s32 s11, s12;
	s8 =	smul.u32 $0x500, s8;
	s9 =	sshrl.u32 s9, $0x3  }
0xc: {  	s6 =	sor.u32 $0x1C01, s31;
	s12 =	simm.s32 $0x2800;
	s9 =	sadd.s32 s9, s5  }
0xd: {  	s5 =	sadd.s32 $0x1800, s10;
	s7 =	sadd.s32 s7, s8;
	s10 =	sshrl.u32 s30, $0x3  }
0xe: {  	s8 =	sadd.s32 $0x1E00, s9;
	s9 =	smax.u32 s11, $0x1;
	s11 =	simm.s32 $0x1  }
.LBB2_1:
0xf: {  	[spmem:s10], [sflag:s6] =	dma.local [hbm:s5], $0x50  }
0x10: {  	_ =	swait.ge [sflag:s11], $0x50  }
0x11: {  	[sflag:s11] =	ssyncset.done $0x0  }
0x12: {  	[sflag:s11] =	ssyncadd.s32 $0xFFFFFFB0  }
0x13: {  	[tilespmem:s3], [sflag:$0x1] =	stream.linear.gather [hbm4b:s7+s3], $0x2800, $0x38;
	[tilespmem:$0x2B00] =	vst v63  }
0x14: {  	_ =	swait.ge [sflag:s11], $0x2800  }
0x15: {  	[sflag:s11] =	ssyncset.done $0x0  }
0x16: {  	[sflag:s11] =	ssyncadd.s32 $0xFFFFD800  }
0x17: {  	[tilespmem:s12], [sflag:$0x1] =	stream.linear.gather [hbm4b:s4+s3], $0x80, $0x38;
	[tilespmem:$0x2B00] =	vst v63  }
0x18: {  	_ =	swait.ge [sflag:s11], $0x80  }
0x19: {  	[sflag:s11] =	ssyncset.done $0x0  }
0x1a: {  	[sflag:s11] =	ssyncadd.s32 $0xFFFFFF80  }
0x1b: {  	s15 =	simm.s32 $0x0;
	[bflag:$0x0] =	sbarrier.arrive $0xFFFF  }
0x1c: {  	[spmem:s2] =	stream.indirect.scatter.add.f32 [tilespmem:s12], [sflag:$0x1], $0x1, s15, s13, $0xb8;
	[tilespmem:$0x2B00] =	vst v63  }
0x1d: {  	_ =	swait.ge [sflag:s11], $0x80  }
0x1e: {  	s15 =	simm.s32 $0x200;
	[sflag:s11] =	ssyncset.done $0x0  }
.LBB2_2:
0x1f: {  	s16 =	sshra.s32 s15, $0x2;
	[sflag:s11] =	ssyncadd.s32 $0xFFFFFF80;
	p0 =	sne.s32 s15, $0x9E00  }
0x20: {  	[spmem:s2] =	stream.indirect.scatter.add.f32 [tilespmem:s12], [sflag:$0x1], $0x1, s16, s13, $0xb8;
	[tilespmem:$0x2B00] =	vst v63  }
.Ltmp0:
0x21: {  	_ = 	snop;
	(pc) =	sbr.rel @p0 .LBB2_2-.Ltmp0, $4  }
0x22: {  	_ = 	snop  }
0x23: {  	s15 =	sadd.s32 $0x200, s15  }
0x24: {  	_ =	swait.ge [sflag:s11], $0x80  }
0x25: {  	[sflag:s11] =	ssyncset.done $0x0  }
0x26: {  	s14 =	sadd.s32 $0x1, s14  }
0x27: {  	[sflag:s11] =	ssyncadd.s32 $0xFFFFFF80;
	p0 =	sne.s32 s14, s9  }
.Ltmp1:
0x28: {  	[bflag:$0x0] =	sbarrier.arrive $0xFFFF;
	(pc) =	sbr.rel @p0 .LBB2_1-.Ltmp1, $4  }
0x29: {  	[hbm:s8], [sflag:s6] =	dma.local [spmem:s10], $0x50  }
0x2a: {  	_ =	swait.ge [sflag:s11], $0x50  }
0x2b: {  	[sflag:s11] =	ssyncset.done $0x0  }
0x2c: {  	[sflag:s11] =	ssyncadd.s32 $0xFFFFFFB0  }
0x2d: {  	_ =	sfence.sel $0x180000  }
0x2e: {  	[bflag:$0x0] =	sbarrier.arrive $0xFFFF  }
0x2f: {  	p0 =	sne.s32 s0, $0x0;
	_ =	strace $0x90000047  }
0x30: {  	s0 =	sadd.s32 @!p0 $0x100000, s1;
	[bflag:$0x2] =	sbarrier.arrive $0xFFFF  }
0x31: {  	[sflag:s0] =	ssyncadd.tile.s32 @!p0 $0x1;
	_ =	shalt  }
.Lfunc_end2:
_tile_overlayer_lowered:
.L_overlay_start_2:
0x32: {  	(tag) =	ssettag $0x2  }
0x33: {  	s0 =	rddreg [dreg:$0x0];
	s2 =	stileid.u32  }
0x34: {  	s1 =	rddreg [dreg:$0x1];
	p0 =	sne.s32 s2, $0x0  }
0x35: {  	s3 =	rddreg [dreg:$0x2];
	[bflag:$0x3] =	sbarrier.arrive $0xFFFF;
	s2 =	simm.s32 @!p0 $0x1C01  }
0x36: {  	[timem:s3], [sflag:s2] =	dma.local @!p0 [hbm:s0], s1  }
0x37: {  	s0 =	simm.s32 @!p0 $0x1  }
0x38: {  	_ =	swait.ge @!p0 [sflag:s0], s1  }
0x39: {  	s1 =	ssub.s32 @!p0 $0x0, s1;
	[sflag:s0] =	ssyncset.done @!p0 $0x0  }
0x3a: {  	[sflag:s0] =	ssyncadd.s32 @!p0 s1  }
0x3b: {  	[bflag:$0x3] =	sbarrier.arrive $0xFFFF  }
0x3c: {  	_ =	shalt  }

</sc_bundles>
